<compile_context>
chip_gen: v7x
topology: tpu7x:2x2x1
jax: 0.10.2.dev20260603
libtpu: 0.0.44.dev20260713+nightly
codegen_flags: <defaults>
</compile_context>

<pallas_src>
import functools

import jax
import jax.numpy as jnp
from jax import lax
from jax.experimental import pallas as pl
from jax.experimental.pallas import tpu as pltpu
from jax.experimental.pallas import tpu_sc as plsc

NC = 2
NS = 16
NW = NC * NS
K = 128
NBUF = 6
LOOKAHEAD = NBUF - 2
EP = 128


def _sc_gather(idx1, table128, *, flat, n_chunks):
    mesh = plsc.VectorSubcoreMesh(
        core_axis_name="c", subcore_axis_name="s", num_cores=NC, num_subcores=NS
    )
    per_w = n_chunks * K

    @functools.partial(
        pl.kernel,
        out_type=jax.ShapeDtypeStruct((flat, EP), jnp.float32),
        mesh=mesh,
        scratch_types=[
            pltpu.VMEM((per_w,), jnp.int32),
            pltpu.VMEM((NBUF, K, EP), jnp.float32),
        ]
        + [pltpu.SemaphoreType.DMA] * (2 * NBUF),
        compiler_params=pltpu.CompilerParams(use_tc_tiling_on_sc=True),
    )
    def body(idx_hbm, table_hbm, out_hbm, idx_v, dst_v, *sems):
        in_sems, out_sems = sems[:NBUF], sems[NBUF:]
        wid = lax.axis_index("s") * NC + lax.axis_index("c")
        base = wid * per_w

        pltpu.sync_copy(idx_hbm.at[pl.ds(base, per_w)], idx_v)

        def gather(j, c):
            return pltpu.make_async_copy(
                table_hbm.at[idx_v.at[pl.ds(c * K, K)]], dst_v.at[j], in_sems[j]
            )

        def scatter(j, c):
            start = pl.multiple_of(base + c * K, K)
            return pltpu.make_async_copy(
                dst_v.at[j], out_hbm.at[pl.ds(start, K)], out_sems[j]
            )

        for c0 in range(LOOKAHEAD):
            gather(c0, c0).start()

        def step(j, c):
            jg = (j + LOOKAHEAD) % NBUF

            @pl.when(c >= NBUF - LOOKAHEAD)
            def _():
                scatter(jg, c + LOOKAHEAD - NBUF).wait()

            @pl.when(c + LOOKAHEAD < n_chunks)
            def _():
                gather(jg, c + LOOKAHEAD).start()

            gather(j, c).wait()
            scatter(j, c).start()

        def outer(i, carry):
            for j in range(NBUF):
                step(j, i * NBUF + j)
            return carry

        n_full = (n_chunks // NBUF) * NBUF
        lax.fori_loop(0, n_chunks // NBUF, outer, 0)
        for c in range(n_full, n_chunks):
            step(c % NBUF, c)
        for c in range(n_chunks - (NBUF - LOOKAHEAD), n_chunks):
            scatter(c % NBUF, c).wait()

    return body(idx1, table128)


def kernel(context, table, pos_enc):
    B, L = context.shape
    V, E = table.shape
    flat = B * L
    n_chunks = flat // (NW * K)
    idx1 = context.reshape(-1)
    table128 = jnp.pad(table, ((0, 0), (0, EP - E)))
    out = _sc_gather(idx1, table128, flat=flat, n_chunks=n_chunks)
    return out[:, :E].reshape(B, L, E) + pos_enc[None, :, :]

# --- scband reference (transcript-rebuilt; emitter-appended) ---
"""Pipeline reference for scband-encoder-13769665151589 (READ-ONLY COPY).

The authoritative reference and input builder live on the scoring server;
editing this copy changes nothing except your own understanding.
"""

import jax, jax.numpy as jnp
import numpy as np

VOCAB = 1000000
EMBED = 64
MAXCTX = 200
BATCH = 4096


def _positions(d, embedding_size):
    # Faithful translation of Encoder.positions, including the original
    # operator-precedence quirk: sin(x if i%2==0 else cos(x)).
    arr = np.zeros((d, embedding_size), dtype=np.float32)
    for pos in range(d):
        for i in range(embedding_size):
            x = pos / 10000 ** (2 * i / d)
            arr[pos, i] = np.sin(x) if i % 2 == 0 else np.sin(np.cos(x))
    return jnp.asarray(arr)


def setup_inputs(seed: int = 0) -> dict:
    key = jax.random.key(seed)
    k1, k2 = jax.random.split(key)
    context = jax.random.randint(k1, (BATCH, MAXCTX), 0, VOCAB, dtype=jnp.int32)
    # nn.Embedding weight ~ N(0, 1)
    table = jax.random.normal(k2, (VOCAB, EMBED), dtype=jnp.float32)
    pos_enc = _positions(MAXCTX, EMBED)
    return {"context": context, "table": table, "pos_enc": pos_enc}


def reference(context, table, pos_enc):
    # embedding lookup (SparseCore gather)
    embedding = jnp.take(table, context, axis=0)  # [B, L, E]
    # add fixed sinusoidal positional encoding (intended forward semantics)
    out = embedding + pos_enc[None, :, :]
    return out

if __name__ == "__main__":
    import jax
    _d = setup_inputs()
    print(jax.jit(kernel)(*tuple(_d.values())))

</pallas_src>

<mosaic_0001>
#map = affine_map<(d0, d1) -> (0)>
#map1 = affine_map<(d0, d1) -> (0, 0)>
module attributes {stable_mosaic.version = 14 : i64} {
  func.func @body(%arg0: i32, %arg1: i32, %arg2: memref<819200xi32, #tpu.memory_space<hbm>>, %arg3: memref<1000000x128xf32, #tpu.memory_space<hbm>>, %arg4: memref<819200x128xf32, #tpu.memory_space<hbm>>, %arg5: memref<25600xi32, #tpu.memory_space<vmem>>, %arg6: memref<6x128x128xf32, #tpu.memory_space<vmem>>, %arg7: memref<!tpu.dma_semaphore, #tpu.memory_space<semaphore_mem>>, %arg8: memref<!tpu.dma_semaphore, #tpu.memory_space<semaphore_mem>>, %arg9: memref<!tpu.dma_semaphore, #tpu.memory_space<semaphore_mem>>, %arg10: memref<!tpu.dma_semaphore, #tpu.memory_space<semaphore_mem>>, %arg11: memref<!tpu.dma_semaphore, #tpu.memory_space<semaphore_mem>>, %arg12: memref<!tpu.dma_semaphore, #tpu.memory_space<semaphore_mem>>, %arg13: memref<!tpu.dma_semaphore, #tpu.memory_space<semaphore_mem>>, %arg14: memref<!tpu.dma_semaphore, #tpu.memory_space<semaphore_mem>>, %arg15: memref<!tpu.dma_semaphore, #tpu.memory_space<semaphore_mem>>, %arg16: memref<!tpu.dma_semaphore, #tpu.memory_space<semaphore_mem>>, %arg17: memref<!tpu.dma_semaphore, #tpu.memory_space<semaphore_mem>>, %arg18: memref<!tpu.dma_semaphore, #tpu.memory_space<semaphore_mem>>) attributes {dimension_semantics = [#tpu.dimension_semantics<core_parallel>, #tpu.dimension_semantics<subcore_parallel>], iteration_bounds = array<i64: 2, 16>, scalar_prefetch = 0 : i64, scratch_operands = 14 : i64, tpu.core_type = #tpu.core_type<sc_vector_subcore>, window_params = [{transform_indices = #map}, {transform_indices = #map1}, {transform_indices = #map1}]} {
    %mul3A = arith.constant 2 : i32
    %mul3A_0 = arith.muli %arg1, %mul3A : i32
    %add3A = arith.addi %mul3A_0, %arg0 : i32
    %mul3A_1 = arith.constant 25600 : i32
    %mul3A_2 = arith.muli %add3A, %mul3A_1 : i32
    "tpu.region"() ({
      %run_scoped3A = tpu.sem_alloc : memref<!tpu.dma_semaphore, #tpu.memory_space<semaphore_mem>>
      %dma_start3A_161 = tpu.memref_slice %arg2[%mul3A_2] : memref<819200xi32, #tpu.memory_space<hbm>> -> memref<25600xi32, #tpu.memory_space<hbm>>
      %dma_start3A_162 = tpu.memref_slice %arg2[%mul3A_2] : memref<819200xi32, #tpu.memory_space<hbm>> -> memref<25600xi32, #tpu.memory_space<hbm>>
      tpu.enqueue_dma source(%dma_start3A_162 : memref<25600xi32, #tpu.memory_space<hbm>>) target(%arg5 : memref<25600xi32, #tpu.memory_space<vmem>>) target_semaphore(%run_scoped3A : memref<!tpu.dma_semaphore, #tpu.memory_space<semaphore_mem>>)
      %dma_wait3A_163 = tpu.memref_slice %arg2[%mul3A_2] : memref<819200xi32, #tpu.memory_space<hbm>> -> memref<25600xi32, #tpu.memory_space<hbm>>
      %dma_wait3A_164 = tpu.memref_slice %arg2[%mul3A_2] : memref<819200xi32, #tpu.memory_space<hbm>> -> memref<25600xi32, #tpu.memory_space<hbm>>
      tpu.wait_dma2 semaphore(%run_scoped3A : memref<!tpu.dma_semaphore, #tpu.memory_space<semaphore_mem>>) src(%dma_wait3A_164 : memref<25600xi32, #tpu.memory_space<hbm>>) dst(%arg5 : memref<25600xi32, #tpu.memory_space<vmem>>)
      tpu.yield
    }) : () -> ()
    %dma_start3A = arith.constant 0 : i32
    %dma_start3A_3 = arith.constant 0 : i32
    %dma_start3A_4 = arith.constant 0 : i32
    %dma_start3A_5 = tpu.memref_slice %arg6[%dma_start3A, %dma_start3A_3, %dma_start3A_4] : memref<6x128x128xf32, #tpu.memory_space<vmem>> -> memref<1x128x128xf32, #tpu.memory_space<vmem>>
    %dma_start3A_6 = tpu.memref_squeeze %dma_start3A_5 : memref<1x128x128xf32, #tpu.memory_space<vmem>> -> memref<128x128xf32, #tpu.memory_space<vmem>>
    %dma_start3A_7 = arith.constant 0 : i32
    %dma_start3A_8 = tpu.memref_slice %arg5[%dma_start3A_7] : memref<25600xi32, #tpu.memory_space<vmem>> -> memref<128xi32, #tpu.memory_space<vmem>>
    %dma_start3A_9 = arith.constant 0 : i32
    %dma_start3A_10 = arith.constant 0 : i32
    %dma_start3A_11 = tpu.memref_slice %arg3[%dma_start3A_9, %dma_start3A_10] : memref<1000000x128xf32, #tpu.memory_space<hbm>> -> memref<1000000x128xf32, #tpu.memory_space<hbm>>
    tpu.enqueue_indirect_dma source(%dma_start3A_11 : memref<1000000x128xf32, #tpu.memory_space<hbm>>) target(%dma_start3A_6 : memref<128x128xf32, #tpu.memory_space<vmem>>) offsets(%dma_start3A_8 : memref<128xi32, #tpu.memory_space<vmem>>) semaphore(%arg7 : memref<!tpu.dma_semaphore, #tpu.memory_space<semaphore_mem>>)
    %dma_start3A_12 = arith.constant 1 : i32
    %dma_start3A_13 = arith.constant 0 : i32
    %dma_start3A_14 = arith.constant 0 : i32
    %dma_start3A_15 = tpu.memref_slice %arg6[%dma_start3A_12, %dma_start3A_13, %dma_start3A_14] : memref<6x128x128xf32, #tpu.memory_space<vmem>> -> memref<1x128x128xf32, #tpu.memory_space<vmem>>
    %dma_start3A_16 = tpu.memref_squeeze %dma_start3A_15 : memref<1x128x128xf32, #tpu.memory_space<vmem>> -> memref<128x128xf32, #tpu.memory_space<vmem>>
    %dma_start3A_17 = arith.constant 128 : i32
    %dma_start3A_18 = tpu.memref_slice %arg5[%dma_start3A_17] : memref<25600xi32, #tpu.memory_space<vmem>> -> memref<128xi32, #tpu.memory_space<vmem>>
    %dma_start3A_19 = arith.constant 0 : i32
    %dma_start3A_20 = arith.constant 0 : i32
    %dma_start3A_21 = tpu.memref_slice %arg3[%dma_start3A_19, %dma_start3A_20] : memref<1000000x128xf32, #tpu.memory_space<hbm>> -> memref<1000000x128xf32, #tpu.memory_space<hbm>>
    tpu.enqueue_indirect_dma source(%dma_start3A_21 : memref<1000000x128xf32, #tpu.memory_space<hbm>>) target(%dma_start3A_16 : memref<128x128xf32, #tpu.memory_space<vmem>>) offsets(%dma_start3A_18 : memref<128xi32, #tpu.memory_space<vmem>>) semaphore(%arg8 : memref<!tpu.dma_semaphore, #tpu.memory_space<semaphore_mem>>)
    %dma_start3A_22 = arith.constant 2 : i32
    %dma_start3A_23 = arith.constant 0 : i32
    %dma_start3A_24 = arith.constant 0 : i32
    %dma_start3A_25 = tpu.memref_slice %arg6[%dma_start3A_22, %dma_start3A_23, %dma_start3A_24] : memref<6x128x128xf32, #tpu.memory_space<vmem>> -> memref<1x128x128xf32, #tpu.memory_space<vmem>>
    %dma_start3A_26 = tpu.memref_squeeze %dma_start3A_25 : memref<1x128x128xf32, #tpu.memory_space<vmem>> -> memref<128x128xf32, #tpu.memory_space<vmem>>
    %dma_start3A_27 = arith.constant 256 : i32
    %dma_start3A_28 = tpu.memref_slice %arg5[%dma_start3A_27] : memref<25600xi32, #tpu.memory_space<vmem>> -> memref<128xi32, #tpu.memory_space<vmem>>
    %dma_start3A_29 = arith.constant 0 : i32
    %dma_start3A_30 = arith.constant 0 : i32
    %dma_start3A_31 = tpu.memref_slice %arg3[%dma_start3A_29, %dma_start3A_30] : memref<1000000x128xf32, #tpu.memory_space<hbm>> -> memref<1000000x128xf32, #tpu.memory_space<hbm>>
    tpu.enqueue_indirect_dma source(%dma_start3A_31 : memref<1000000x128xf32, #tpu.memory_space<hbm>>) target(%dma_start3A_26 : memref<128x128xf32, #tpu.memory_space<vmem>>) offsets(%dma_start3A_28 : memref<128xi32, #tpu.memory_space<vmem>>) semaphore(%arg9 : memref<!tpu.dma_semaphore, #tpu.memory_space<semaphore_mem>>)
    %dma_start3A_32 = arith.constant 3 : i32
    %dma_start3A_33 = arith.constant 0 : i32
    %dma_start3A_34 = arith.constant 0 : i32
    %dma_start3A_35 = tpu.memref_slice %arg6[%dma_start3A_32, %dma_start3A_33, %dma_start3A_34] : memref<6x128x128xf32, #tpu.memory_space<vmem>> -> memref<1x128x128xf32, #tpu.memory_space<vmem>>
    %dma_start3A_36 = tpu.memref_squeeze %dma_start3A_35 : memref<1x128x128xf32, #tpu.memory_space<vmem>> -> memref<128x128xf32, #tpu.memory_space<vmem>>
    %dma_start3A_37 = arith.constant 384 : i32
    %dma_start3A_38 = tpu.memref_slice %arg5[%dma_start3A_37] : memref<25600xi32, #tpu.memory_space<vmem>> -> memref<128xi32, #tpu.memory_space<vmem>>
    %dma_start3A_39 = arith.constant 0 : i32
    %dma_start3A_40 = arith.constant 0 : i32
    %dma_start3A_41 = tpu.memref_slice %arg3[%dma_start3A_39, %dma_start3A_40] : memref<1000000x128xf32, #tpu.memory_space<hbm>> -> memref<1000000x128xf32, #tpu.memory_space<hbm>>
    tpu.enqueue_indirect_dma source(%dma_start3A_41 : memref<1000000x128xf32, #tpu.memory_space<hbm>>) target(%dma_start3A_36 : memref<128x128xf32, #tpu.memory_space<vmem>>) offsets(%dma_start3A_38 : memref<128xi32, #tpu.memory_space<vmem>>) semaphore(%arg10 : memref<!tpu.dma_semaphore, #tpu.memory_space<semaphore_mem>>)
    %scan3A = arith.constant 0 : i32
    %scan3A_42 = arith.constant 0 : i32
    %scan3A_43 = arith.constant 33 : i32
    %scan3A_44 = arith.addi %scan3A_42, %scan3A_43 : i32
    %scan3A_45 = arith.constant 1 : i32
    scf.for %scan3A_161 = %scan3A_42 to %scan3A_44 step %scan3A_45  : i32 {
      %mul3A_162 = arith.constant 6 : i32
      %mul3A_163 = arith.muli %scan3A_161, %mul3A_162 : i32
      %add3A_164 = arith.constant 0 : i32
      %add3A_165 = arith.addi %mul3A_163, %add3A_164 : i32
      %ge3A = arith.constant 2 : i32
      %ge3A_166 = arith.cmpi sge, %add3A_165, %ge3A : i32
      %convert_element_type3A = arith.extui %ge3A_166 : i1 to i32
      %cond3A = arith.constant 0 : i32
      %cond3A_167 = arith.cmpi ne, %convert_element_type3A, %cond3A : i32
      scf.if %cond3A_167 {
        %add3A_422 = arith.constant 4 : i32
        %add3A_423 = arith.addi %add3A_165, %add3A_422 : i32
        %sub3A = arith.constant 6 : i32
        %sub3A_424 = arith.subi %add3A_423, %sub3A : i32
        %mul3A_425 = arith.constant 128 : i32
        %mul3A_426 = arith.muli %sub3A_424, %mul3A_425 : i32
        %add3A_427 = arith.addi %mul3A_2, %mul3A_426 : i32
        %multiple_of3A_428 = tpu.assume_multiple %add3A_427, 128 : i32
        %dma_wait3A_429 = arith.constant 4 : i32
        %dma_wait3A_430 = arith.constant 0 : i32
        %dma_wait3A_431 = arith.constant 0 : i32
        %dma_wait3A_432 = tpu.memref_slice %arg6[%dma_wait3A_429, %dma_wait3A_430, %dma_wait3A_431] : memref<6x128x128xf32, #tpu.memory_space<vmem>> -> memref<1x128x128xf32, #tpu.memory_space<vmem>>
        %dma_wait3A_433 = tpu.memref_squeeze %dma_wait3A_432 : memref<1x128x128xf32, #tpu.memory_space<vmem>> -> memref<128x128xf32, #tpu.memory_space<vmem>>
        %dma_wait3A_434 = arith.constant 0 : i32
        %dma_wait3A_435 = tpu.memref_slice %arg4[%multiple_of3A_428, %dma_wait3A_434] : memref<819200x128xf32, #tpu.memory_space<hbm>> -> memref<128x128xf32, #tpu.memory_space<hbm>>
        %dma_wait3A_436 = arith.constant 0 : i32
        %dma_wait3A_437 = tpu.memref_slice %arg4[%multiple_of3A_428, %dma_wait3A_436] : memref<819200x128xf32, #tpu.memory_space<hbm>> -> memref<128x128xf32, #tpu.memory_space<hbm>>
        %dma_wait3A_438 = arith.constant 0 : i32
        %dma_wait3A_439 = arith.constant 0 : i32
        %dma_wait3A_440 = tpu.memref_slice %arg6[%dma_wait3A_429, %dma_wait3A_438, %dma_wait3A_439] : memref<6x128x128xf32, #tpu.memory_space<vmem>> -> memref<1x128x128xf32, #tpu.memory_space<vmem>>
        %dma_wait3A_441 = tpu.memref_squeeze %dma_wait3A_440 : memref<1x128x128xf32, #tpu.memory_space<vmem>> -> memref<128x128xf32, #tpu.memory_space<vmem>>
        tpu.wait_dma2 semaphore(%arg17 : memref<!tpu.dma_semaphore, #tpu.memory_space<semaphore_mem>>) src(%dma_wait3A_441 : memref<128x128xf32, #tpu.memory_space<vmem>>) dst(%dma_wait3A_437 : memref<128x128xf32, #tpu.memory_space<hbm>>)
      } else {
      }
      %add3A_168 = arith.constant 4 : i32
      %add3A_169 = arith.addi %add3A_165, %add3A_168 : i32
      %lt3A = arith.constant 200 : i32
      %lt3A_170 = arith.cmpi slt, %add3A_169, %lt3A : i32
      %convert_element_type3A_171 = arith.extui %lt3A_170 : i1 to i32
      %cond3A_172 = arith.constant 0 : i32
      %cond3A_173 = arith.cmpi ne, %convert_element_type3A_171, %cond3A_172 : i32
      scf.if %cond3A_173 {
        %add3A_422 = arith.constant 4 : i32
        %add3A_423 = arith.addi %add3A_165, %add3A_422 : i32
        %mul3A_424 = arith.constant 128 : i32
        %mul3A_425 = arith.muli %add3A_423, %mul3A_424 : i32
        %dma_start3A_426 = arith.constant 4 : i32
        %dma_start3A_427 = arith.constant 0 : i32
        %dma_start3A_428 = arith.constant 0 : i32
        %dma_start3A_429 = tpu.memref_slice %arg6[%dma_start3A_426, %dma_start3A_427, %dma_start3A_428] : memref<6x128x128xf32, #tpu.memory_space<vmem>> -> memref<1x128x128xf32, #tpu.memory_space<vmem>>
        %dma_start3A_430 = tpu.memref_squeeze %dma_start3A_429 : memref<1x128x128xf32, #tpu.memory_space<vmem>> -> memref<128x128xf32, #tpu.memory_space<vmem>>
        %dma_start3A_431 = tpu.memref_slice %arg5[%mul3A_425] : memref<25600xi32, #tpu.memory_space<vmem>> -> memref<128xi32, #tpu.memory_space<vmem>>
        %dma_start3A_432 = arith.constant 0 : i32
        %dma_start3A_433 = arith.constant 0 : i32
        %dma_start3A_434 = tpu.memref_slice %arg3[%dma_start3A_432, %dma_start3A_433] : memref<1000000x128xf32, #tpu.memory_space<hbm>> -> memref<1000000x128xf32, #tpu.memory_space<hbm>>
        tpu.enqueue_indirect_dma source(%dma_start3A_434 : memref<1000000x128xf32, #tpu.memory_space<hbm>>) target(%dma_start3A_430 : memref<128x128xf32, #tpu.memory_space<vmem>>) offsets(%dma_start3A_431 : memref<128xi32, #tpu.memory_space<vmem>>) semaphore(%arg11 : memref<!tpu.dma_semaphore, #tpu.memory_space<semaphore_mem>>)
      } else {
      }
      %mul3A_174 = arith.constant 128 : i32
      %mul3A_175 = arith.muli %add3A_165, %mul3A_174 : i32
      %dma_wait3A_176 = arith.constant 0 : i32
      %dma_wait3A_177 = arith.constant 0 : i32
      %dma_wait3A_178 = arith.constant 0 : i32
      %dma_wait3A_179 = tpu.memref_slice %arg6[%dma_wait3A_176, %dma_wait3A_177, %dma_wait3A_178] : memref<6x128x128xf32, #tpu.memory_space<vmem>> -> memref<1x128x128xf32, #tpu.memory_space<vmem>>
      %dma_wait3A_180 = tpu.memref_squeeze %dma_wait3A_179 : memref<1x128x128xf32, #tpu.memory_space<vmem>> -> memref<128x128xf32, #tpu.memory_space<vmem>>
      %dma_wait3A_181 = tpu.memref_slice %arg5[%mul3A_175] : memref<25600xi32, #tpu.memory_space<vmem>> -> memref<128xi32, #tpu.memory_space<vmem>>
      %dma_wait3A_182 = arith.constant 0 : i32
      %dma_wait3A_183 = arith.constant 0 : i32
      %dma_wait3A_184 = tpu.memref_slice %arg3[%dma_wait3A_182, %dma_wait3A_183] : memref<1000000x128xf32, #tpu.memory_space<hbm>> -> memref<1000000x128xf32, #tpu.memory_space<hbm>>
      tpu.wait_indirect_dma semaphore(%arg7 : memref<!tpu.dma_semaphore, #tpu.memory_space<semaphore_mem>>) src(%dma_wait3A_184 : memref<1000000x128xf32, #tpu.memory_space<hbm>>) dst(%dma_wait3A_180 : memref<128x128xf32, #tpu.memory_space<vmem>>)
      %mul3A_185 = arith.constant 128 : i32
      %mul3A_186 = arith.muli %add3A_165, %mul3A_185 : i32
      %add3A_187 = arith.addi %mul3A_2, %mul3A_186 : i32
      %multiple_of3A_188 = tpu.assume_multiple %add3A_187, 128 : i32
      %dma_start3A_189 = arith.constant 0 : i32
      %dma_start3A_190 = arith.constant 0 : i32
      %dma_start3A_191 = arith.constant 0 : i32
      %dma_start3A_192 = tpu.memref_slice %arg6[%dma_start3A_189, %dma_start3A_190, %dma_start3A_191] : memref<6x128x128xf32, #tpu.memory_space<vmem>> -> memref<1x128x128xf32, #tpu.memory_space<vmem>>
      %dma_start3A_193 = tpu.memref_squeeze %dma_start3A_192 : memref<1x128x128xf32, #tpu.memory_space<vmem>> -> memref<128x128xf32, #tpu.memory_space<vmem>>
      %dma_start3A_194 = arith.constant 0 : i32
      %dma_start3A_195 = tpu.memref_slice %arg4[%multiple_of3A_188, %dma_start3A_194] : memref<819200x128xf32, #tpu.memory_space<hbm>> -> memref<128x128xf32, #tpu.memory_space<hbm>>
      %dma_start3A_196 = arith.constant 0 : i32
      %dma_start3A_197 = tpu.memref_slice %arg4[%multiple_of3A_188, %dma_start3A_196] : memref<819200x128xf32, #tpu.memory_space<hbm>> -> memref<128x128xf32, #tpu.memory_space<hbm>>
      %dma_start3A_198 = arith.constant 0 : i32
      %dma_start3A_199 = arith.constant 0 : i32
      %dma_start3A_200 = tpu.memref_slice %arg6[%dma_start3A_189, %dma_start3A_198, %dma_start3A_199] : memref<6x128x128xf32, #tpu.memory_space<vmem>> -> memref<1x128x128xf32, #tpu.memory_space<vmem>>
      %dma_start3A_201 = tpu.memref_squeeze %dma_start3A_200 : memref<1x128x128xf32, #tpu.memory_space<vmem>> -> memref<128x128xf32, #tpu.memory_space<vmem>>
      tpu.enqueue_dma source(%dma_start3A_201 : memref<128x128xf32, #tpu.memory_space<vmem>>) target(%dma_start3A_197 : memref<128x128xf32, #tpu.memory_space<hbm>>) target_semaphore(%arg13 : memref<!tpu.dma_semaphore, #tpu.memory_space<semaphore_mem>>)
      %mul3A_202 = arith.constant 6 : i32
      %mul3A_203 = arith.muli %scan3A_161, %mul3A_202 : i32
      %add3A_204 = arith.constant 1 : i32
      %add3A_205 = arith.addi %mul3A_203, %add3A_204 : i32
      %ge3A_206 = arith.constant 2 : i32
      %ge3A_207 = arith.cmpi sge, %add3A_205, %ge3A_206 : i32
      %convert_element_type3A_208 = arith.extui %ge3A_207 : i1 to i32
      %cond3A_209 = arith.constant 0 : i32
      %cond3A_210 = arith.cmpi ne, %convert_element_type3A_208, %cond3A_209 : i32
      scf.if %cond3A_210 {
        %add3A_422 = arith.constant 4 : i32
        %add3A_423 = arith.addi %add3A_205, %add3A_422 : i32
        %sub3A = arith.constant 6 : i32
        %sub3A_424 = arith.subi %add3A_423, %sub3A : i32
        %mul3A_425 = arith.constant 128 : i32
        %mul3A_426 = arith.muli %sub3A_424, %mul3A_425 : i32
        %add3A_427 = arith.addi %mul3A_2, %mul3A_426 : i32
        %multiple_of3A_428 = tpu.assume_multiple %add3A_427, 128 : i32
        %dma_wait3A_429 = arith.constant 5 : i32
        %dma_wait3A_430 = arith.constant 0 : i32
        %dma_wait3A_431 = arith.constant 0 : i32
        %dma_wait3A_432 = tpu.memref_slice %arg6[%dma_wait3A_429, %dma_wait3A_430, %dma_wait3A_431] : memref<6x128x128xf32, #tpu.memory_space<vmem>> -> memref<1x128x128xf32, #tpu.memory_space<vmem>>
        %dma_wait3A_433 = tpu.memref_squeeze %dma_wait3A_432 : memref<1x128x128xf32, #tpu.memory_space<vmem>> -> memref<128x128xf32, #tpu.memory_space<vmem>>
        %dma_wait3A_434 = arith.constant 0 : i32
        %dma_wait3A_435 = tpu.memref_slice %arg4[%multiple_of3A_428, %dma_wait3A_434] : memref<819200x128xf32, #tpu.memory_space<hbm>> -> memref<128x128xf32, #tpu.memory_space<hbm>>
        %dma_wait3A_436 = arith.constant 0 : i32
        %dma_wait3A_437 = tpu.memref_slice %arg4[%multiple_of3A_428, %dma_wait3A_436] : memref<819200x128xf32, #tpu.memory_space<hbm>> -> memref<128x128xf32, #tpu.memory_space<hbm>>
        %dma_wait3A_438 = arith.constant 0 : i32
        %dma_wait3A_439 = arith.constant 0 : i32
        %dma_wait3A_440 = tpu.memref_slice %arg6[%dma_wait3A_429, %dma_wait3A_438, %dma_wait3A_439] : memref<6x128x128xf32, #tpu.memory_space<vmem>> -> memref<1x128x128xf32, #tpu.memory_space<vmem>>
        %dma_wait3A_441 = tpu.memref_squeeze %dma_wait3A_440 : memref<1x128x128xf32, #tpu.memory_space<vmem>> -> memref<128x128xf32, #tpu.memory_space<vmem>>
        tpu.wait_dma2 semaphore(%arg18 : memref<!tpu.dma_semaphore, #tpu.memory_space<semaphore_mem>>) src(%dma_wait3A_441 : memref<128x128xf32, #tpu.memory_space<vmem>>) dst(%dma_wait3A_437 : memref<128x128xf32, #tpu.memory_space<hbm>>)
      } else {
      }
      %add3A_211 = arith.constant 4 : i32
      %add3A_212 = arith.addi %add3A_205, %add3A_211 : i32
      %lt3A_213 = arith.constant 200 : i32
      %lt3A_214 = arith.cmpi slt, %add3A_212, %lt3A_213 : i32
      %convert_element_type3A_215 = arith.extui %lt3A_214 : i1 to i32
      %cond3A_216 = arith.constant 0 : i32
      %cond3A_217 = arith.cmpi ne, %convert_element_type3A_215, %cond3A_216 : i32
      scf.if %cond3A_217 {
        %add3A_422 = arith.constant 4 : i32
        %add3A_423 = arith.addi %add3A_205, %add3A_422 : i32
        %mul3A_424 = arith.constant 128 : i32
        %mul3A_425 = arith.muli %add3A_423, %mul3A_424 : i32
        %dma_start3A_426 = arith.constant 5 : i32
        %dma_start3A_427 = arith.constant 0 : i32
        %dma_start3A_428 = arith.constant 0 : i32
        %dma_start3A_429 = tpu.memref_slice %arg6[%dma_start3A_426, %dma_start3A_427, %dma_start3A_428] : memref<6x128x128xf32, #tpu.memory_space<vmem>> -> memref<1x128x128xf32, #tpu.memory_space<vmem>>
        %dma_start3A_430 = tpu.memref_squeeze %dma_start3A_429 : memref<1x128x128xf32, #tpu.memory_space<vmem>> -> memref<128x128xf32, #tpu.memory_space<vmem>>
        %dma_start3A_431 = tpu.memref_slice %arg5[%mul3A_425] : memref<25600xi32, #tpu.memory_space<vmem>> -> memref<128xi32, #tpu.memory_space<vmem>>
        %dma_start3A_432 = arith.constant 0 : i32
        %dma_start3A_433 = arith.constant 0 : i32
        %dma_start3A_434 = tpu.memref_slice %arg3[%dma_start3A_432, %dma_start3A_433] : memref<1000000x128xf32, #tpu.memory_space<hbm>> -> memref<1000000x128xf32, #tpu.memory_space<hbm>>
        tpu.enqueue_indirect_dma source(%dma_start3A_434 : memref<1000000x128xf32, #tpu.memory_space<hbm>>) target(%dma_start3A_430 : memref<128x128xf32, #tpu.memory_space<vmem>>) offsets(%dma_start3A_431 : memref<128xi32, #tpu.memory_space<vmem>>) semaphore(%arg12 : memref<!tpu.dma_semaphore, #tpu.memory_space<semaphore_mem>>)
      } else {
      }
      %mul3A_218 = arith.constant 128 : i32
      %mul3A_219 = arith.muli %add3A_205, %mul3A_218 : i32
      %dma_wait3A_220 = arith.constant 1 : i32
      %dma_wait3A_221 = arith.constant 0 : i32
      %dma_wait3A_222 = arith.constant 0 : i32
      %dma_wait3A_223 = tpu.memref_slice %arg6[%dma_wait3A_220, %dma_wait3A_221, %dma_wait3A_222] : memref<6x128x128xf32, #tpu.memory_space<vmem>> -> memref<1x128x128xf32, #tpu.memory_space<vmem>>
      %dma_wait3A_224 = tpu.memref_squeeze %dma_wait3A_223 : memref<1x128x128xf32, #tpu.memory_space<vmem>> -> memref<128x128xf32, #tpu.memory_space<vmem>>
      %dma_wait3A_225 = tpu.memref_slice %arg5[%mul3A_219] : memref<25600xi32, #tpu.memory_space<vmem>> -> memref<128xi32, #tpu.memory_space<vmem>>
      %dma_wait3A_226 = arith.constant 0 : i32
      %dma_wait3A_227 = arith.constant 0 : i32
      %dma_wait3A_228 = tpu.memref_slice %arg3[%dma_wait3A_226, %dma_wait3A_227] : memref<1000000x128xf32, #tpu.memory_space<hbm>> -> memref<1000000x128xf32, #tpu.memory_space<hbm>>
      tpu.wait_indirect_dma semaphore(%arg8 : memref<!tpu.dma_semaphore, #tpu.memory_space<semaphore_mem>>) src(%dma_wait3A_228 : memref<1000000x128xf32, #tpu.memory_space<hbm>>) dst(%dma_wait3A_224 : memref<128x128xf32, #tpu.memory_space<vmem>>)
      %mul3A_229 = arith.constant 128 : i32
      %mul3A_230 = arith.muli %add3A_205, %mul3A_229 : i32
      %add3A_231 = arith.addi %mul3A_2, %mul3A_230 : i32
      %multiple_of3A_232 = tpu.assume_multiple %add3A_231, 128 : i32
      %dma_start3A_233 = arith.constant 1 : i32
      %dma_start3A_234 = arith.constant 0 : i32
      %dma_start3A_235 = arith.constant 0 : i32
      %dma_start3A_236 = tpu.memref_slice %arg6[%dma_start3A_233, %dma_start3A_234, %dma_start3A_235] : memref<6x128x128xf32, #tpu.memory_space<vmem>> -> memref<1x128x128xf32, #tpu.memory_space<vmem>>
      %dma_start3A_237 = tpu.memref_squeeze %dma_start3A_236 : memref<1x128x128xf32, #tpu.memory_space<vmem>> -> memref<128x128xf32, #tpu.memory_space<vmem>>
      %dma_start3A_238 = arith.constant 0 : i32
      %dma_start3A_239 = tpu.memref_slice %arg4[%multiple_of3A_232, %dma_start3A_238] : memref<819200x128xf32, #tpu.memory_space<hbm>> -> memref<128x128xf32, #tpu.memory_space<hbm>>
      %dma_start3A_240 = arith.constant 0 : i32
      %dma_start3A_241 = tpu.memref_slice %arg4[%multiple_of3A_232, %dma_start3A_240] : memref<819200x128xf32, #tpu.memory_space<hbm>> -> memref<128x128xf32, #tpu.memory_space<hbm>>
      %dma_start3A_242 = arith.constant 0 : i32
      %dma_start3A_243 = arith.constant 0 : i32
      %dma_start3A_244 = tpu.memref_slice %arg6[%dma_start3A_233, %dma_start3A_242, %dma_start3A_243] : memref<6x128x128xf32, #tpu.memory_space<vmem>> -> memref<1x128x128xf32, #tpu.memory_space<vmem>>
      %dma_start3A_245 = tpu.memref_squeeze %dma_start3A_244 : memref<1x128x128xf32, #tpu.memory_space<vmem>> -> memref<128x128xf32, #tpu.memory_space<vmem>>
      tpu.enqueue_dma source(%dma_start3A_245 : memref<128x128xf32, #tpu.memory_space<vmem>>) target(%dma_start3A_241 : memref<128x128xf32, #tpu.memory_space<hbm>>) target_semaphore(%arg14 : memref<!tpu.dma_semaphore, #tpu.memory_space<semaphore_mem>>)
      %mul3A_246 = arith.constant 6 : i32
      %mul3A_247 = arith.muli %scan3A_161, %mul3A_246 : i32
      %add3A_248 = arith.constant 2 : i32
      %add3A_249 = arith.addi %mul3A_247, %add3A_248 : i32
      %ge3A_250 = arith.constant 2 : i32
      %ge3A_251 = arith.cmpi sge, %add3A_249, %ge3A_250 : i32
      %convert_element_type3A_252 = arith.extui %ge3A_251 : i1 to i32
      %cond3A_253 = arith.constant 0 : i32
      %cond3A_254 = arith.cmpi ne, %convert_element_type3A_252, %cond3A_253 : i32
      scf.if %cond3A_254 {
        %add3A_422 = arith.constant 4 : i32
        %add3A_423 = arith.addi %add3A_249, %add3A_422 : i32
        %sub3A = arith.constant 6 : i32
        %sub3A_424 = arith.subi %add3A_423, %sub3A : i32
        %mul3A_425 = arith.constant 128 : i32
        %mul3A_426 = arith.muli %sub3A_424, %mul3A_425 : i32
        %add3A_427 = arith.addi %mul3A_2, %mul3A_426 : i32
        %multiple_of3A_428 = tpu.assume_multiple %add3A_427, 128 : i32
        %dma_wait3A_429 = arith.constant 0 : i32
        %dma_wait3A_430 = arith.constant 0 : i32
        %dma_wait3A_431 = arith.constant 0 : i32
        %dma_wait3A_432 = tpu.memref_slice %arg6[%dma_wait3A_429, %dma_wait3A_430, %dma_wait3A_431] : memref<6x128x128xf32, #tpu.memory_space<vmem>> -> memref<1x128x128xf32, #tpu.memory_space<vmem>>
        %dma_wait3A_433 = tpu.memref_squeeze %dma_wait3A_432 : memref<1x128x128xf32, #tpu.memory_space<vmem>> -> memref<128x128xf32, #tpu.memory_space<vmem>>
        %dma_wait3A_434 = arith.constant 0 : i32
        %dma_wait3A_435 = tpu.memref_slice %arg4[%multiple_of3A_428, %dma_wait3A_434] : memref<819200x128xf32, #tpu.memory_space<hbm>> -> memref<128x128xf32, #tpu.memory_space<hbm>>
        %dma_wait3A_436 = arith.constant 0 : i32
        %dma_wait3A_437 = tpu.memref_slice %arg4[%multiple_of3A_428, %dma_wait3A_436] : memref<819200x128xf32, #tpu.memory_space<hbm>> -> memref<128x128xf32, #tpu.memory_space<hbm>>
        %dma_wait3A_438 = arith.constant 0 : i32
        %dma_wait3A_439 = arith.constant 0 : i32
        %dma_wait3A_440 = tpu.memref_slice %arg6[%dma_wait3A_429, %dma_wait3A_438, %dma_wait3A_439] : memref<6x128x128xf32, #tpu.memory_space<vmem>> -> memref<1x128x128xf32, #tpu.memory_space<vmem>>
        %dma_wait3A_441 = tpu.memref_squeeze %dma_wait3A_440 : memref<1x128x128xf32, #tpu.memory_space<vmem>> -> memref<128x128xf32, #tpu.memory_space<vmem>>
        tpu.wait_dma2 semaphore(%arg13 : memref<!tpu.dma_semaphore, #tpu.memory_space<semaphore_mem>>) src(%dma_wait3A_441 : memref<128x128xf32, #tpu.memory_space<vmem>>) dst(%dma_wait3A_437 : memref<128x128xf32, #tpu.memory_space<hbm>>)
      } else {
      }
      %add3A_255 = arith.constant 4 : i32
      %add3A_256 = arith.addi %add3A_249, %add3A_255 : i32
      %lt3A_257 = arith.constant 200 : i32
      %lt3A_258 = arith.cmpi slt, %add3A_256, %lt3A_257 : i32
      %convert_element_type3A_259 = arith.extui %lt3A_258 : i1 to i32
      %cond3A_260 = arith.constant 0 : i32
      %cond3A_261 = arith.cmpi ne, %convert_element_type3A_259, %cond3A_260 : i32
      scf.if %cond3A_261 {
        %add3A_422 = arith.constant 4 : i32
        %add3A_423 = arith.addi %add3A_249, %add3A_422 : i32
        %mul3A_424 = arith.constant 128 : i32
        %mul3A_425 = arith.muli %add3A_423, %mul3A_424 : i32
        %dma_start3A_426 = arith.constant 0 : i32
        %dma_start3A_427 = arith.constant 0 : i32
        %dma_start3A_428 = arith.constant 0 : i32
        %dma_start3A_429 = tpu.memref_slice %arg6[%dma_start3A_426, %dma_start3A_427, %dma_start3A_428] : memref<6x128x128xf32, #tpu.memory_space<vmem>> -> memref<1x128x128xf32, #tpu.memory_space<vmem>>
        %dma_start3A_430 = tpu.memref_squeeze %dma_start3A_429 : memref<1x128x128xf32, #tpu.memory_space<vmem>> -> memref<128x128xf32, #tpu.memory_space<vmem>>
        %dma_start3A_431 = tpu.memref_slice %arg5[%mul3A_425] : memref<25600xi32, #tpu.memory_space<vmem>> -> memref<128xi32, #tpu.memory_space<vmem>>
        %dma_start3A_432 = arith.constant 0 : i32
        %dma_start3A_433 = arith.constant 0 : i32
        %dma_start3A_434 = tpu.memref_slice %arg3[%dma_start3A_432, %dma_start3A_433] : memref<1000000x128xf32, #tpu.memory_space<hbm>> -> memref<1000000x128xf32, #tpu.memory_space<hbm>>
        tpu.enqueue_indirect_dma source(%dma_start3A_434 : memref<1000000x128xf32, #tpu.memory_space<hbm>>) target(%dma_start3A_430 : memref<128x128xf32, #tpu.memory_space<vmem>>) offsets(%dma_start3A_431 : memref<128xi32, #tpu.memory_space<vmem>>) semaphore(%arg7 : memref<!tpu.dma_semaphore, #tpu.memory_space<semaphore_mem>>)
      } else {
      }
      %mul3A_262 = arith.constant 128 : i32
      %mul3A_263 = arith.muli %add3A_249, %mul3A_262 : i32
      %dma_wait3A_264 = arith.constant 2 : i32
      %dma_wait3A_265 = arith.constant 0 : i32
      %dma_wait3A_266 = arith.constant 0 : i32
      %dma_wait3A_267 = tpu.memref_slice %arg6[%dma_wait3A_264, %dma_wait3A_265, %dma_wait3A_266] : memref<6x128x128xf32, #tpu.memory_space<vmem>> -> memref<1x128x128xf32, #tpu.memory_space<vmem>>
      %dma_wait3A_268 = tpu.memref_squeeze %dma_wait3A_267 : memref<1x128x128xf32, #tpu.memory_space<vmem>> -> memref<128x128xf32, #tpu.memory_space<vmem>>
      %dma_wait3A_269 = tpu.memref_slice %arg5[%mul3A_263] : memref<25600xi32, #tpu.memory_space<vmem>> -> memref<128xi32, #tpu.memory_space<vmem>>
      %dma_wait3A_270 = arith.constant 0 : i32
      %dma_wait3A_271 = arith.constant 0 : i32
      %dma_wait3A_272 = tpu.memref_slice %arg3[%dma_wait3A_270, %dma_wait3A_271] : memref<1000000x128xf32, #tpu.memory_space<hbm>> -> memref<1000000x128xf32, #tpu.memory_space<hbm>>
      tpu.wait_indirect_dma semaphore(%arg9 : memref<!tpu.dma_semaphore, #tpu.memory_space<semaphore_mem>>) src(%dma_wait3A_272 : memref<1000000x128xf32, #tpu.memory_space<hbm>>) dst(%dma_wait3A_268 : memref<128x128xf32, #tpu.memory_space<vmem>>)
      %mul3A_273 = arith.constant 128 : i32
      %mul3A_274 = arith.muli %add3A_249, %mul3A_273 : i32
      %add3A_275 = arith.addi %mul3A_2, %mul3A_274 : i32
      %multiple_of3A_276 = tpu.assume_multiple %add3A_275, 128 : i32
      %dma_start3A_277 = arith.constant 2 : i32
      %dma_start3A_278 = arith.constant 0 : i32
      %dma_start3A_279 = arith.constant 0 : i32
      %dma_start3A_280 = tpu.memref_slice %arg6[%dma_start3A_277, %dma_start3A_278, %dma_start3A_279] : memref<6x128x128xf32, #tpu.memory_space<vmem>> -> memref<1x128x128xf32, #tpu.memory_space<vmem>>
      %dma_start3A_281 = tpu.memref_squeeze %dma_start3A_280 : memref<1x128x128xf32, #tpu.memory_space<vmem>> -> memref<128x128xf32, #tpu.memory_space<vmem>>
      %dma_start3A_282 = arith.constant 0 : i32
      %dma_start3A_283 = tpu.memref_slice %arg4[%multiple_of3A_276, %dma_start3A_282] : memref<819200x128xf32, #tpu.memory_space<hbm>> -> memref<128x128xf32, #tpu.memory_space<hbm>>
      %dma_start3A_284 = arith.constant 0 : i32
      %dma_start3A_285 = tpu.memref_slice %arg4[%multiple_of3A_276, %dma_start3A_284] : memref<819200x128xf32, #tpu.memory_space<hbm>> -> memref<128x128xf32, #tpu.memory_space<hbm>>
      %dma_start3A_286 = arith.constant 0 : i32
      %dma_start3A_287 = arith.constant 0 : i32
      %dma_start3A_288 = tpu.memref_slice %arg6[%dma_start3A_277, %dma_start3A_286, %dma_start3A_287] : memref<6x128x128xf32, #tpu.memory_space<vmem>> -> memref<1x128x128xf32, #tpu.memory_space<vmem>>
      %dma_start3A_289 = tpu.memref_squeeze %dma_start3A_288 : memref<1x128x128xf32, #tpu.memory_space<vmem>> -> memref<128x128xf32, #tpu.memory_space<vmem>>
      tpu.enqueue_dma source(%dma_start3A_289 : memref<128x128xf32, #tpu.memory_space<vmem>>) target(%dma_start3A_285 : memref<128x128xf32, #tpu.memory_space<hbm>>) target_semaphore(%arg15 : memref<!tpu.dma_semaphore, #tpu.memory_space<semaphore_mem>>)
      %mul3A_290 = arith.constant 6 : i32
      %mul3A_291 = arith.muli %scan3A_161, %mul3A_290 : i32
      %add3A_292 = arith.constant 3 : i32
      %add3A_293 = arith.addi %mul3A_291, %add3A_292 : i32
      %ge3A_294 = arith.constant 2 : i32
      %ge3A_295 = arith.cmpi sge, %add3A_293, %ge3A_294 : i32
      %convert_element_type3A_296 = arith.extui %ge3A_295 : i1 to i32
      %cond3A_297 = arith.constant 0 : i32
      %cond3A_298 = arith.cmpi ne, %convert_element_type3A_296, %cond3A_297 : i32
      scf.if %cond3A_298 {
        %add3A_422 = arith.constant 4 : i32
        %add3A_423 = arith.addi %add3A_293, %add3A_422 : i32
        %sub3A = arith.constant 6 : i32
        %sub3A_424 = arith.subi %add3A_423, %sub3A : i32
        %mul3A_425 = arith.constant 128 : i32
        %mul3A_426 = arith.muli %sub3A_424, %mul3A_425 : i32
        %add3A_427 = arith.addi %mul3A_2, %mul3A_426 : i32
        %multiple_of3A_428 = tpu.assume_multiple %add3A_427, 128 : i32
        %dma_wait3A_429 = arith.constant 1 : i32
        %dma_wait3A_430 = arith.constant 0 : i32
        %dma_wait3A_431 = arith.constant 0 : i32
        %dma_wait3A_432 = tpu.memref_slice %arg6[%dma_wait3A_429, %dma_wait3A_430, %dma_wait3A_431] : memref<6x128x128xf32, #tpu.memory_space<vmem>> -> memref<1x128x128xf32, #tpu.memory_space<vmem>>
        %dma_wait3A_433 = tpu.memref_squeeze %dma_wait3A_432 : memref<1x128x128xf32, #tpu.memory_space<vmem>> -> memref<128x128xf32, #tpu.memory_space<vmem>>
        %dma_wait3A_434 = arith.constant 0 : i32
        %dma_wait3A_435 = tpu.memref_slice %arg4[%multiple_of3A_428, %dma_wait3A_434] : memref<819200x128xf32, #tpu.memory_space<hbm>> -> memref<128x128xf32, #tpu.memory_space<hbm>>
        %dma_wait3A_436 = arith.constant 0 : i32
        %dma_wait3A_437 = tpu.memref_slice %arg4[%multiple_of3A_428, %dma_wait3A_436] : memref<819200x128xf32, #tpu.memory_space<hbm>> -> memref<128x128xf32, #tpu.memory_space<hbm>>
        %dma_wait3A_438 = arith.constant 0 : i32
        %dma_wait3A_439 = arith.constant 0 : i32
        %dma_wait3A_440 = tpu.memref_slice %arg6[%dma_wait3A_429, %dma_wait3A_438, %dma_wait3A_439] : memref<6x128x128xf32, #tpu.memory_space<vmem>> -> memref<1x128x128xf32, #tpu.memory_space<vmem>>
        %dma_wait3A_441 = tpu.memref_squeeze %dma_wait3A_440 : memref<1x128x128xf32, #tpu.memory_space<vmem>> -> memref<128x128xf32, #tpu.memory_space<vmem>>
        tpu.wait_dma2 semaphore(%arg14 : memref<!tpu.dma_semaphore, #tpu.memory_space<semaphore_mem>>) src(%dma_wait3A_441 : memref<128x128xf32, #tpu.memory_space<vmem>>) dst(%dma_wait3A_437 : memref<128x128xf32, #tpu.memory_space<hbm>>)
      } else {
      }
      %add3A_299 = arith.constant 4 : i32
      %add3A_300 = arith.addi %add3A_293, %add3A_299 : i32
      %lt3A_301 = arith.constant 200 : i32
      %lt3A_302 = arith.cmpi slt, %add3A_300, %lt3A_301 : i32
      %convert_element_type3A_303 = arith.extui %lt3A_302 : i1 to i32
      %cond3A_304 = arith.constant 0 : i32
      %cond3A_305 = arith.cmpi ne, %convert_element_type3A_303, %cond3A_304 : i32
      scf.if %cond3A_305 {
        %add3A_422 = arith.constant 4 : i32
        %add3A_423 = arith.addi %add3A_293, %add3A_422 : i32
        %mul3A_424 = arith.constant 128 : i32
        %mul3A_425 = arith.muli %add3A_423, %mul3A_424 : i32
        %dma_start3A_426 = arith.constant 1 : i32
        %dma_start3A_427 = arith.constant 0 : i32
        %dma_start3A_428 = arith.constant 0 : i32
        %dma_start3A_429 = tpu.memref_slice %arg6[%dma_start3A_426, %dma_start3A_427, %dma_start3A_428] : memref<6x128x128xf32, #tpu.memory_space<vmem>> -> memref<1x128x128xf32, #tpu.memory_space<vmem>>
        %dma_start3A_430 = tpu.memref_squeeze %dma_start3A_429 : memref<1x128x128xf32, #tpu.memory_space<vmem>> -> memref<128x128xf32, #tpu.memory_space<vmem>>
        %dma_start3A_431 = tpu.memref_slice %arg5[%mul3A_425] : memref<25600xi32, #tpu.memory_space<vmem>> -> memref<128xi32, #tpu.memory_space<vmem>>
        %dma_start3A_432 = arith.constant 0 : i32
        %dma_start3A_433 = arith.constant 0 : i32
        %dma_start3A_434 = tpu.memref_slice %arg3[%dma_start3A_432, %dma_start3A_433] : memref<1000000x128xf32, #tpu.memory_space<hbm>> -> memref<1000000x128xf32, #tpu.memory_space<hbm>>
        tpu.enqueue_indirect_dma source(%dma_start3A_434 : memref<1000000x128xf32, #tpu.memory_space<hbm>>) target(%dma_start3A_430 : memref<128x128xf32, #tpu.memory_space<vmem>>) offsets(%dma_start3A_431 : memref<128xi32, #tpu.memory_space<vmem>>) semaphore(%arg8 : memref<!tpu.dma_semaphore, #tpu.memory_space<semaphore_mem>>)
      } else {
      }
      %mul3A_306 = arith.constant 128 : i32
      %mul3A_307 = arith.muli %add3A_293, %mul3A_306 : i32
      %dma_wait3A_308 = arith.constant 3 : i32
      %dma_wait3A_309 = arith.constant 0 : i32
      %dma_wait3A_310 = arith.constant 0 : i32
      %dma_wait3A_311 = tpu.memref_slice %arg6[%dma_wait3A_308, %dma_wait3A_309, %dma_wait3A_310] : memref<6x128x128xf32, #tpu.memory_space<vmem>> -> memref<1x128x128xf32, #tpu.memory_space<vmem>>
      %dma_wait3A_312 = tpu.memref_squeeze %dma_wait3A_311 : memref<1x128x128xf32, #tpu.memory_space<vmem>> -> memref<128x128xf32, #tpu.memory_space<vmem>>
      %dma_wait3A_313 = tpu.memref_slice %arg5[%mul3A_307] : memref<25600xi32, #tpu.memory_space<vmem>> -> memref<128xi32, #tpu.memory_space<vmem>>
      %dma_wait3A_314 = arith.constant 0 : i32
      %dma_wait3A_315 = arith.constant 0 : i32
      %dma_wait3A_316 = tpu.memref_slice %arg3[%dma_wait3A_314, %dma_wait3A_315] : memref<1000000x128xf32, #tpu.memory_space<hbm>> -> memref<1000000x128xf32, #tpu.memory_space<hbm>>
      tpu.wait_indirect_dma semaphore(%arg10 : memref<!tpu.dma_semaphore, #tpu.memory_space<semaphore_mem>>) src(%dma_wait3A_316 : memref<1000000x128xf32, #tpu.memory_space<hbm>>) dst(%dma_wait3A_312 : memref<128x128xf32, #tpu.memory_space<vmem>>)
      %mul3A_317 = arith.constant 128 : i32
      %mul3A_318 = arith.muli %add3A_293, %mul3A_317 : i32
      %add3A_319 = arith.addi %mul3A_2, %mul3A_318 : i32
      %multiple_of3A_320 = tpu.assume_multiple %add3A_319, 128 : i32
      %dma_start3A_321 = arith.constant 3 : i32
      %dma_start3A_322 = arith.constant 0 : i32
      %dma_start3A_323 = arith.constant 0 : i32
      %dma_start3A_324 = tpu.memref_slice %arg6[%dma_start3A_321, %dma_start3A_322, %dma_start3A_323] : memref<6x128x128xf32, #tpu.memory_space<vmem>> -> memref<1x128x128xf32, #tpu.memory_space<vmem>>
      %dma_start3A_325 = tpu.memref_squeeze %dma_start3A_324 : memref<1x128x128xf32, #tpu.memory_space<vmem>> -> memref<128x128xf32, #tpu.memory_space<vmem>>
      %dma_start3A_326 = arith.constant 0 : i32
      %dma_start3A_327 = tpu.memref_slice %arg4[%multiple_of3A_320, %dma_start3A_326] : memref<819200x128xf32, #tpu.memory_space<hbm>> -> memref<128x128xf32, #tpu.memory_space<hbm>>
      %dma_start3A_328 = arith.constant 0 : i32
      %dma_start3A_329 = tpu.memref_slice %arg4[%multiple_of3A_320, %dma_start3A_328] : memref<819200x128xf32, #tpu.memory_space<hbm>> -> memref<128x128xf32, #tpu.memory_space<hbm>>
      %dma_start3A_330 = arith.constant 0 : i32
      %dma_start3A_331 = arith.constant 0 : i32
      %dma_start3A_332 = tpu.memref_slice %arg6[%dma_start3A_321, %dma_start3A_330, %dma_start3A_331] : memref<6x128x128xf32, #tpu.memory_space<vmem>> -> memref<1x128x128xf32, #tpu.memory_space<vmem>>
      %dma_start3A_333 = tpu.memref_squeeze %dma_start3A_332 : memref<1x128x128xf32, #tpu.memory_space<vmem>> -> memref<128x128xf32, #tpu.memory_space<vmem>>
      tpu.enqueue_dma source(%dma_start3A_333 : memref<128x128xf32, #tpu.memory_space<vmem>>) target(%dma_start3A_329 : memref<128x128xf32, #tpu.memory_space<hbm>>) target_semaphore(%arg16 : memref<!tpu.dma_semaphore, #tpu.memory_space<semaphore_mem>>)
      %mul3A_334 = arith.constant 6 : i32
      %mul3A_335 = arith.muli %scan3A_161, %mul3A_334 : i32
      %add3A_336 = arith.constant 4 : i32
      %add3A_337 = arith.addi %mul3A_335, %add3A_336 : i32
      %ge3A_338 = arith.constant 2 : i32
      %ge3A_339 = arith.cmpi sge, %add3A_337, %ge3A_338 : i32
      %convert_element_type3A_340 = arith.extui %ge3A_339 : i1 to i32
      %cond3A_341 = arith.constant 0 : i32
      %cond3A_342 = arith.cmpi ne, %convert_element_type3A_340, %cond3A_341 : i32
      scf.if %cond3A_342 {
        %add3A_422 = arith.constant 4 : i32
        %add3A_423 = arith.addi %add3A_337, %add3A_422 : i32
        %sub3A = arith.constant 6 : i32
        %sub3A_424 = arith.subi %add3A_423, %sub3A : i32
        %mul3A_425 = arith.constant 128 : i32
        %mul3A_426 = arith.muli %sub3A_424, %mul3A_425 : i32
        %add3A_427 = arith.addi %mul3A_2, %mul3A_426 : i32
        %multiple_of3A_428 = tpu.assume_multiple %add3A_427, 128 : i32
        %dma_wait3A_429 = arith.constant 2 : i32
        %dma_wait3A_430 = arith.constant 0 : i32
        %dma_wait3A_431 = arith.constant 0 : i32
        %dma_wait3A_432 = tpu.memref_slice %arg6[%dma_wait3A_429, %dma_wait3A_430, %dma_wait3A_431] : memref<6x128x128xf32, #tpu.memory_space<vmem>> -> memref<1x128x128xf32, #tpu.memory_space<vmem>>
        %dma_wait3A_433 = tpu.memref_squeeze %dma_wait3A_432 : memref<1x128x128xf32, #tpu.memory_space<vmem>> -> memref<128x128xf32, #tpu.memory_space<vmem>>
        %dma_wait3A_434 = arith.constant 0 : i32
        %dma_wait3A_435 = tpu.memref_slice %arg4[%multiple_of3A_428, %dma_wait3A_434] : memref<819200x128xf32, #tpu.memory_space<hbm>> -> memref<128x128xf32, #tpu.memory_space<hbm>>
        %dma_wait3A_436 = arith.constant 0 : i32
        %dma_wait3A_437 = tpu.memref_slice %arg4[%multiple_of3A_428, %dma_wait3A_436] : memref<819200x128xf32, #tpu.memory_space<hbm>> -> memref<128x128xf32, #tpu.memory_space<hbm>>
        %dma_wait3A_438 = arith.constant 0 : i32
        %dma_wait3A_439 = arith.constant 0 : i32
        %dma_wait3A_440 = tpu.memref_slice %arg6[%dma_wait3A_429, %dma_wait3A_438, %dma_wait3A_439] : memref<6x128x128xf32, #tpu.memory_space<vmem>> -> memref<1x128x128xf32, #tpu.memory_space<vmem>>
        %dma_wait3A_441 = tpu.memref_squeeze %dma_wait3A_440 : memref<1x128x128xf32, #tpu.memory_space<vmem>> -> memref<128x128xf32, #tpu.memory_space<vmem>>
        tpu.wait_dma2 semaphore(%arg15 : memref<!tpu.dma_semaphore, #tpu.memory_space<semaphore_mem>>) src(%dma_wait3A_441 : memref<128x128xf32, #tpu.memory_space<vmem>>) dst(%dma_wait3A_437 : memref<128x128xf32, #tpu.memory_space<hbm>>)
      } else {
      }
      %add3A_343 = arith.constant 4 : i32
      %add3A_344 = arith.addi %add3A_337, %add3A_343 : i32
      %lt3A_345 = arith.constant 200 : i32
      %lt3A_346 = arith.cmpi slt, %add3A_344, %lt3A_345 : i32
      %convert_element_type3A_347 = arith.extui %lt3A_346 : i1 to i32
      %cond3A_348 = arith.constant 0 : i32
      %cond3A_349 = arith.cmpi ne, %convert_element_type3A_347, %cond3A_348 : i32
      scf.if %cond3A_349 {
        %add3A_422 = arith.constant 4 : i32
        %add3A_423 = arith.addi %add3A_337, %add3A_422 : i32
        %mul3A_424 = arith.constant 128 : i32
        %mul3A_425 = arith.muli %add3A_423, %mul3A_424 : i32
        %dma_start3A_426 = arith.constant 2 : i32
        %dma_start3A_427 = arith.constant 0 : i32
        %dma_start3A_428 = arith.constant 0 : i32
        %dma_start3A_429 = tpu.memref_slice %arg6[%dma_start3A_426, %dma_start3A_427, %dma_start3A_428] : memref<6x128x128xf32, #tpu.memory_space<vmem>> -> memref<1x128x128xf32, #tpu.memory_space<vmem>>
        %dma_start3A_430 = tpu.memref_squeeze %dma_start3A_429 : memref<1x128x128xf32, #tpu.memory_space<vmem>> -> memref<128x128xf32, #tpu.memory_space<vmem>>
        %dma_start3A_431 = tpu.memref_slice %arg5[%mul3A_425] : memref<25600xi32, #tpu.memory_space<vmem>> -> memref<128xi32, #tpu.memory_space<vmem>>
        %dma_start3A_432 = arith.constant 0 : i32
        %dma_start3A_433 = arith.constant 0 : i32
        %dma_start3A_434 = tpu.memref_slice %arg3[%dma_start3A_432, %dma_start3A_433] : memref<1000000x128xf32, #tpu.memory_space<hbm>> -> memref<1000000x128xf32, #tpu.memory_space<hbm>>
        tpu.enqueue_indirect_dma source(%dma_start3A_434 : memref<1000000x128xf32, #tpu.memory_space<hbm>>) target(%dma_start3A_430 : memref<128x128xf32, #tpu.memory_space<vmem>>) offsets(%dma_start3A_431 : memref<128xi32, #tpu.memory_space<vmem>>) semaphore(%arg9 : memref<!tpu.dma_semaphore, #tpu.memory_space<semaphore_mem>>)
      } else {
      }
      %mul3A_350 = arith.constant 128 : i32
      %mul3A_351 = arith.muli %add3A_337, %mul3A_350 : i32
      %dma_wait3A_352 = arith.constant 4 : i32
      %dma_wait3A_353 = arith.constant 0 : i32
      %dma_wait3A_354 = arith.constant 0 : i32
      %dma_wait3A_355 = tpu.memref_slice %arg6[%dma_wait3A_352, %dma_wait3A_353, %dma_wait3A_354] : memref<6x128x128xf32, #tpu.memory_space<vmem>> -> memref<1x128x128xf32, #tpu.memory_space<vmem>>
      %dma_wait3A_356 = tpu.memref_squeeze %dma_wait3A_355 : memref<1x128x128xf32, #tpu.memory_space<vmem>> -> memref<128x128xf32, #tpu.memory_space<vmem>>
      %dma_wait3A_357 = tpu.memref_slice %arg5[%mul3A_351] : memref<25600xi32, #tpu.memory_space<vmem>> -> memref<128xi32, #tpu.memory_space<vmem>>
      %dma_wait3A_358 = arith.constant 0 : i32
      %dma_wait3A_359 = arith.constant 0 : i32
      %dma_wait3A_360 = tpu.memref_slice %arg3[%dma_wait3A_358, %dma_wait3A_359] : memref<1000000x128xf32, #tpu.memory_space<hbm>> -> memref<1000000x128xf32, #tpu.memory_space<hbm>>
      tpu.wait_indirect_dma semaphore(%arg11 : memref<!tpu.dma_semaphore, #tpu.memory_space<semaphore_mem>>) src(%dma_wait3A_360 : memref<1000000x128xf32, #tpu.memory_space<hbm>>) dst(%dma_wait3A_356 : memref<128x128xf32, #tpu.memory_space<vmem>>)
      %mul3A_361 = arith.constant 128 : i32
      %mul3A_362 = arith.muli %add3A_337, %mul3A_361 : i32
      %add3A_363 = arith.addi %mul3A_2, %mul3A_362 : i32
      %multiple_of3A_364 = tpu.assume_multiple %add3A_363, 128 : i32
      %dma_start3A_365 = arith.constant 4 : i32
      %dma_start3A_366 = arith.constant 0 : i32
      %dma_start3A_367 = arith.constant 0 : i32
      %dma_start3A_368 = tpu.memref_slice %arg6[%dma_start3A_365, %dma_start3A_366, %dma_start3A_367] : memref<6x128x128xf32, #tpu.memory_space<vmem>> -> memref<1x128x128xf32, #tpu.memory_space<vmem>>
      %dma_start3A_369 = tpu.memref_squeeze %dma_start3A_368 : memref<1x128x128xf32, #tpu.memory_space<vmem>> -> memref<128x128xf32, #tpu.memory_space<vmem>>
      %dma_start3A_370 = arith.constant 0 : i32
      %dma_start3A_371 = tpu.memref_slice %arg4[%multiple_of3A_364, %dma_start3A_370] : memref<819200x128xf32, #tpu.memory_space<hbm>> -> memref<128x128xf32, #tpu.memory_space<hbm>>
      %dma_start3A_372 = arith.constant 0 : i32
      %dma_start3A_373 = tpu.memref_slice %arg4[%multiple_of3A_364, %dma_start3A_372] : memref<819200x128xf32, #tpu.memory_space<hbm>> -> memref<128x128xf32, #tpu.memory_space<hbm>>
      %dma_start3A_374 = arith.constant 0 : i32
      %dma_start3A_375 = arith.constant 0 : i32
      %dma_start3A_376 = tpu.memref_slice %arg6[%dma_start3A_365, %dma_start3A_374, %dma_start3A_375] : memref<6x128x128xf32, #tpu.memory_space<vmem>> -> memref<1x128x128xf32, #tpu.memory_space<vmem>>
      %dma_start3A_377 = tpu.memref_squeeze %dma_start3A_376 : memref<1x128x128xf32, #tpu.memory_space<vmem>> -> memref<128x128xf32, #tpu.memory_space<vmem>>
      tpu.enqueue_dma source(%dma_start3A_377 : memref<128x128xf32, #tpu.memory_space<vmem>>) target(%dma_start3A_373 : memref<128x128xf32, #tpu.memory_space<hbm>>) target_semaphore(%arg17 : memref<!tpu.dma_semaphore, #tpu.memory_space<semaphore_mem>>)
      %mul3A_378 = arith.constant 6 : i32
      %mul3A_379 = arith.muli %scan3A_161, %mul3A_378 : i32
      %add3A_380 = arith.constant 5 : i32
      %add3A_381 = arith.addi %mul3A_379, %add3A_380 : i32
      %ge3A_382 = arith.constant 2 : i32
      %ge3A_383 = arith.cmpi sge, %add3A_381, %ge3A_382 : i32
      %convert_element_type3A_384 = arith.extui %ge3A_383 : i1 to i32
      %cond3A_385 = arith.constant 0 : i32
      %cond3A_386 = arith.cmpi ne, %convert_element_type3A_384, %cond3A_385 : i32
      scf.if %cond3A_386 {
        %add3A_422 = arith.constant 4 : i32
        %add3A_423 = arith.addi %add3A_381, %add3A_422 : i32
        %sub3A = arith.constant 6 : i32
        %sub3A_424 = arith.subi %add3A_423, %sub3A : i32
        %mul3A_425 = arith.constant 128 : i32
        %mul3A_426 = arith.muli %sub3A_424, %mul3A_425 : i32
        %add3A_427 = arith.addi %mul3A_2, %mul3A_426 : i32
        %multiple_of3A_428 = tpu.assume_multiple %add3A_427, 128 : i32
        %dma_wait3A_429 = arith.constant 3 : i32
        %dma_wait3A_430 = arith.constant 0 : i32
        %dma_wait3A_431 = arith.constant 0 : i32
        %dma_wait3A_432 = tpu.memref_slice %arg6[%dma_wait3A_429, %dma_wait3A_430, %dma_wait3A_431] : memref<6x128x128xf32, #tpu.memory_space<vmem>> -> memref<1x128x128xf32, #tpu.memory_space<vmem>>
        %dma_wait3A_433 = tpu.memref_squeeze %dma_wait3A_432 : memref<1x128x128xf32, #tpu.memory_space<vmem>> -> memref<128x128xf32, #tpu.memory_space<vmem>>
        %dma_wait3A_434 = arith.constant 0 : i32
        %dma_wait3A_435 = tpu.memref_slice %arg4[%multiple_of3A_428, %dma_wait3A_434] : memref<819200x128xf32, #tpu.memory_space<hbm>> -> memref<128x128xf32, #tpu.memory_space<hbm>>
        %dma_wait3A_436 = arith.constant 0 : i32
        %dma_wait3A_437 = tpu.memref_slice %arg4[%multiple_of3A_428, %dma_wait3A_436] : memref<819200x128xf32, #tpu.memory_space<hbm>> -> memref<128x128xf32, #tpu.memory_space<hbm>>
        %dma_wait3A_438 = arith.constant 0 : i32
        %dma_wait3A_439 = arith.constant 0 : i32
        %dma_wait3A_440 = tpu.memref_slice %arg6[%dma_wait3A_429, %dma_wait3A_438, %dma_wait3A_439] : memref<6x128x128xf32, #tpu.memory_space<vmem>> -> memref<1x128x128xf32, #tpu.memory_space<vmem>>
        %dma_wait3A_441 = tpu.memref_squeeze %dma_wait3A_440 : memref<1x128x128xf32, #tpu.memory_space<vmem>> -> memref<128x128xf32, #tpu.memory_space<vmem>>
        tpu.wait_dma2 semaphore(%arg16 : memref<!tpu.dma_semaphore, #tpu.memory_space<semaphore_mem>>) src(%dma_wait3A_441 : memref<128x128xf32, #tpu.memory_space<vmem>>) dst(%dma_wait3A_437 : memref<128x128xf32, #tpu.memory_space<hbm>>)
      } else {
      }
      %add3A_387 = arith.constant 4 : i32
      %add3A_388 = arith.addi %add3A_381, %add3A_387 : i32
      %lt3A_389 = arith.constant 200 : i32
      %lt3A_390 = arith.cmpi slt, %add3A_388, %lt3A_389 : i32
      %convert_element_type3A_391 = arith.extui %lt3A_390 : i1 to i32
      %cond3A_392 = arith.constant 0 : i32
      %cond3A_393 = arith.cmpi ne, %convert_element_type3A_391, %cond3A_392 : i32
      scf.if %cond3A_393 {
        %add3A_422 = arith.constant 4 : i32
        %add3A_423 = arith.addi %add3A_381, %add3A_422 : i32
        %mul3A_424 = arith.constant 128 : i32
        %mul3A_425 = arith.muli %add3A_423, %mul3A_424 : i32
        %dma_start3A_426 = arith.constant 3 : i32
        %dma_start3A_427 = arith.constant 0 : i32
        %dma_start3A_428 = arith.constant 0 : i32
        %dma_start3A_429 = tpu.memref_slice %arg6[%dma_start3A_426, %dma_start3A_427, %dma_start3A_428] : memref<6x128x128xf32, #tpu.memory_space<vmem>> -> memref<1x128x128xf32, #tpu.memory_space<vmem>>
        %dma_start3A_430 = tpu.memref_squeeze %dma_start3A_429 : memref<1x128x128xf32, #tpu.memory_space<vmem>> -> memref<128x128xf32, #tpu.memory_space<vmem>>
        %dma_start3A_431 = tpu.memref_slice %arg5[%mul3A_425] : memref<25600xi32, #tpu.memory_space<vmem>> -> memref<128xi32, #tpu.memory_space<vmem>>
        %dma_start3A_432 = arith.constant 0 : i32
        %dma_start3A_433 = arith.constant 0 : i32
        %dma_start3A_434 = tpu.memref_slice %arg3[%dma_start3A_432, %dma_start3A_433] : memref<1000000x128xf32, #tpu.memory_space<hbm>> -> memref<1000000x128xf32, #tpu.memory_space<hbm>>
        tpu.enqueue_indirect_dma source(%dma_start3A_434 : memref<1000000x128xf32, #tpu.memory_space<hbm>>) target(%dma_start3A_430 : memref<128x128xf32, #tpu.memory_space<vmem>>) offsets(%dma_start3A_431 : memref<128xi32, #tpu.memory_space<vmem>>) semaphore(%arg10 : memref<!tpu.dma_semaphore, #tpu.memory_space<semaphore_mem>>)
      } else {
      }
      %mul3A_394 = arith.constant 128 : i32
      %mul3A_395 = arith.muli %add3A_381, %mul3A_394 : i32
      %dma_wait3A_396 = arith.constant 5 : i32
      %dma_wait3A_397 = arith.constant 0 : i32
      %dma_wait3A_398 = arith.constant 0 : i32
      %dma_wait3A_399 = tpu.memref_slice %arg6[%dma_wait3A_396, %dma_wait3A_397, %dma_wait3A_398] : memref<6x128x128xf32, #tpu.memory_space<vmem>> -> memref<1x128x128xf32, #tpu.memory_space<vmem>>
      %dma_wait3A_400 = tpu.memref_squeeze %dma_wait3A_399 : memref<1x128x128xf32, #tpu.memory_space<vmem>> -> memref<128x128xf32, #tpu.memory_space<vmem>>
      %dma_wait3A_401 = tpu.memref_slice %arg5[%mul3A_395] : memref<25600xi32, #tpu.memory_space<vmem>> -> memref<128xi32, #tpu.memory_space<vmem>>
      %dma_wait3A_402 = arith.constant 0 : i32
      %dma_wait3A_403 = arith.constant 0 : i32
      %dma_wait3A_404 = tpu.memref_slice %arg3[%dma_wait3A_402, %dma_wait3A_403] : memref<1000000x128xf32, #tpu.memory_space<hbm>> -> memref<1000000x128xf32, #tpu.memory_space<hbm>>
      tpu.wait_indirect_dma semaphore(%arg12 : memref<!tpu.dma_semaphore, #tpu.memory_space<semaphore_mem>>) src(%dma_wait3A_404 : memref<1000000x128xf32, #tpu.memory_space<hbm>>) dst(%dma_wait3A_400 : memref<128x128xf32, #tpu.memory_space<vmem>>)
      %mul3A_405 = arith.constant 128 : i32
      %mul3A_406 = arith.muli %add3A_381, %mul3A_405 : i32
      %add3A_407 = arith.addi %mul3A_2, %mul3A_406 : i32
      %multiple_of3A_408 = tpu.assume_multiple %add3A_407, 128 : i32
      %dma_start3A_409 = arith.constant 5 : i32
      %dma_start3A_410 = arith.constant 0 : i32
      %dma_start3A_411 = arith.constant 0 : i32
      %dma_start3A_412 = tpu.memref_slice %arg6[%dma_start3A_409, %dma_start3A_410, %dma_start3A_411] : memref<6x128x128xf32, #tpu.memory_space<vmem>> -> memref<1x128x128xf32, #tpu.memory_space<vmem>>
      %dma_start3A_413 = tpu.memref_squeeze %dma_start3A_412 : memref<1x128x128xf32, #tpu.memory_space<vmem>> -> memref<128x128xf32, #tpu.memory_space<vmem>>
      %dma_start3A_414 = arith.constant 0 : i32
      %dma_start3A_415 = tpu.memref_slice %arg4[%multiple_of3A_408, %dma_start3A_414] : memref<819200x128xf32, #tpu.memory_space<hbm>> -> memref<128x128xf32, #tpu.memory_space<hbm>>
      %dma_start3A_416 = arith.constant 0 : i32
      %dma_start3A_417 = tpu.memref_slice %arg4[%multiple_of3A_408, %dma_start3A_416] : memref<819200x128xf32, #tpu.memory_space<hbm>> -> memref<128x128xf32, #tpu.memory_space<hbm>>
      %dma_start3A_418 = arith.constant 0 : i32
      %dma_start3A_419 = arith.constant 0 : i32
      %dma_start3A_420 = tpu.memref_slice %arg6[%dma_start3A_409, %dma_start3A_418, %dma_start3A_419] : memref<6x128x128xf32, #tpu.memory_space<vmem>> -> memref<1x128x128xf32, #tpu.memory_space<vmem>>
      %dma_start3A_421 = tpu.memref_squeeze %dma_start3A_420 : memref<1x128x128xf32, #tpu.memory_space<vmem>> -> memref<128x128xf32, #tpu.memory_space<vmem>>
      tpu.enqueue_dma source(%dma_start3A_421 : memref<128x128xf32, #tpu.memory_space<vmem>>) target(%dma_start3A_417 : memref<128x128xf32, #tpu.memory_space<hbm>>) target_semaphore(%arg18 : memref<!tpu.dma_semaphore, #tpu.memory_space<semaphore_mem>>)
    }
    %scan3A_46 = arith.constant 33 : i32
    %add3A_47 = arith.constant 25088 : i32
    %add3A_48 = arith.addi %mul3A_2, %add3A_47 : i32
    %multiple_of3A = tpu.assume_multiple %add3A_48, 128 : i32
    %dma_wait3A = arith.constant 4 : i32
    %dma_wait3A_49 = arith.constant 0 : i32
    %dma_wait3A_50 = arith.constant 0 : i32
    %dma_wait3A_51 = tpu.memref_slice %arg6[%dma_wait3A, %dma_wait3A_49, %dma_wait3A_50] : memref<6x128x128xf32, #tpu.memory_space<vmem>> -> memref<1x128x128xf32, #tpu.memory_space<vmem>>
    %dma_wait3A_52 = tpu.memref_squeeze %dma_wait3A_51 : memref<1x128x128xf32, #tpu.memory_space<vmem>> -> memref<128x128xf32, #tpu.memory_space<vmem>>
    %dma_wait3A_53 = arith.constant 0 : i32
    %dma_wait3A_54 = tpu.memref_slice %arg4[%multiple_of3A, %dma_wait3A_53] : memref<819200x128xf32, #tpu.memory_space<hbm>> -> memref<128x128xf32, #tpu.memory_space<hbm>>
    %dma_wait3A_55 = arith.constant 0 : i32
    %dma_wait3A_56 = tpu.memref_slice %arg4[%multiple_of3A, %dma_wait3A_55] : memref<819200x128xf32, #tpu.memory_space<hbm>> -> memref<128x128xf32, #tpu.memory_space<hbm>>
    %dma_wait3A_57 = arith.constant 0 : i32
    %dma_wait3A_58 = arith.constant 0 : i32
    %dma_wait3A_59 = tpu.memref_slice %arg6[%dma_wait3A, %dma_wait3A_57, %dma_wait3A_58] : memref<6x128x128xf32, #tpu.memory_space<vmem>> -> memref<1x128x128xf32, #tpu.memory_space<vmem>>
    %dma_wait3A_60 = tpu.memref_squeeze %dma_wait3A_59 : memref<1x128x128xf32, #tpu.memory_space<vmem>> -> memref<128x128xf32, #tpu.memory_space<vmem>>
    tpu.wait_dma2 semaphore(%arg17 : memref<!tpu.dma_semaphore, #tpu.memory_space<semaphore_mem>>) src(%dma_wait3A_60 : memref<128x128xf32, #tpu.memory_space<vmem>>) dst(%dma_wait3A_56 : memref<128x128xf32, #tpu.memory_space<hbm>>)
    %dma_wait3A_61 = arith.constant 0 : i32
    %dma_wait3A_62 = arith.constant 0 : i32
    %dma_wait3A_63 = arith.constant 0 : i32
    %dma_wait3A_64 = tpu.memref_slice %arg6[%dma_wait3A_61, %dma_wait3A_62, %dma_wait3A_63] : memref<6x128x128xf32, #tpu.memory_space<vmem>> -> memref<1x128x128xf32, #tpu.memory_space<vmem>>
    %dma_wait3A_65 = tpu.memref_squeeze %dma_wait3A_64 : memref<1x128x128xf32, #tpu.memory_space<vmem>> -> memref<128x128xf32, #tpu.memory_space<vmem>>
    %dma_wait3A_66 = arith.constant 25344 : i32
    %dma_wait3A_67 = tpu.memref_slice %arg5[%dma_wait3A_66] : memref<25600xi32, #tpu.memory_space<vmem>> -> memref<128xi32, #tpu.memory_space<vmem>>
    %dma_wait3A_68 = arith.constant 0 : i32
    %dma_wait3A_69 = arith.constant 0 : i32
    %dma_wait3A_70 = tpu.memref_slice %arg3[%dma_wait3A_68, %dma_wait3A_69] : memref<1000000x128xf32, #tpu.memory_space<hbm>> -> memref<1000000x128xf32, #tpu.memory_space<hbm>>
    tpu.wait_indirect_dma semaphore(%arg7 : memref<!tpu.dma_semaphore, #tpu.memory_space<semaphore_mem>>) src(%dma_wait3A_70 : memref<1000000x128xf32, #tpu.memory_space<hbm>>) dst(%dma_wait3A_65 : memref<128x128xf32, #tpu.memory_space<vmem>>)
    %add3A_71 = arith.constant 25344 : i32
    %add3A_72 = arith.addi %mul3A_2, %add3A_71 : i32
    %multiple_of3A_73 = tpu.assume_multiple %add3A_72, 128 : i32
    %dma_start3A_74 = arith.constant 0 : i32
    %dma_start3A_75 = arith.constant 0 : i32
    %dma_start3A_76 = arith.constant 0 : i32
    %dma_start3A_77 = tpu.memref_slice %arg6[%dma_start3A_74, %dma_start3A_75, %dma_start3A_76] : memref<6x128x128xf32, #tpu.memory_space<vmem>> -> memref<1x128x128xf32, #tpu.memory_space<vmem>>
    %dma_start3A_78 = tpu.memref_squeeze %dma_start3A_77 : memref<1x128x128xf32, #tpu.memory_space<vmem>> -> memref<128x128xf32, #tpu.memory_space<vmem>>
    %dma_start3A_79 = arith.constant 0 : i32
    %dma_start3A_80 = tpu.memref_slice %arg4[%multiple_of3A_73, %dma_start3A_79] : memref<819200x128xf32, #tpu.memory_space<hbm>> -> memref<128x128xf32, #tpu.memory_space<hbm>>
    %dma_start3A_81 = arith.constant 0 : i32
    %dma_start3A_82 = tpu.memref_slice %arg4[%multiple_of3A_73, %dma_start3A_81] : memref<819200x128xf32, #tpu.memory_space<hbm>> -> memref<128x128xf32, #tpu.memory_space<hbm>>
    %dma_start3A_83 = arith.constant 0 : i32
    %dma_start3A_84 = arith.constant 0 : i32
    %dma_start3A_85 = tpu.memref_slice %arg6[%dma_start3A_74, %dma_start3A_83, %dma_start3A_84] : memref<6x128x128xf32, #tpu.memory_space<vmem>> -> memref<1x128x128xf32, #tpu.memory_space<vmem>>
    %dma_start3A_86 = tpu.memref_squeeze %dma_start3A_85 : memref<1x128x128xf32, #tpu.memory_space<vmem>> -> memref<128x128xf32, #tpu.memory_space<vmem>>
    tpu.enqueue_dma source(%dma_start3A_86 : memref<128x128xf32, #tpu.memory_space<vmem>>) target(%dma_start3A_82 : memref<128x128xf32, #tpu.memory_space<hbm>>) target_semaphore(%arg13 : memref<!tpu.dma_semaphore, #tpu.memory_space<semaphore_mem>>)
    %add3A_87 = arith.constant 25216 : i32
    %add3A_88 = arith.addi %mul3A_2, %add3A_87 : i32
    %multiple_of3A_89 = tpu.assume_multiple %add3A_88, 128 : i32
    %dma_wait3A_90 = arith.constant 5 : i32
    %dma_wait3A_91 = arith.constant 0 : i32
    %dma_wait3A_92 = arith.constant 0 : i32
    %dma_wait3A_93 = tpu.memref_slice %arg6[%dma_wait3A_90, %dma_wait3A_91, %dma_wait3A_92] : memref<6x128x128xf32, #tpu.memory_space<vmem>> -> memref<1x128x128xf32, #tpu.memory_space<vmem>>
    %dma_wait3A_94 = tpu.memref_squeeze %dma_wait3A_93 : memref<1x128x128xf32, #tpu.memory_space<vmem>> -> memref<128x128xf32, #tpu.memory_space<vmem>>
    %dma_wait3A_95 = arith.constant 0 : i32
    %dma_wait3A_96 = tpu.memref_slice %arg4[%multiple_of3A_89, %dma_wait3A_95] : memref<819200x128xf32, #tpu.memory_space<hbm>> -> memref<128x128xf32, #tpu.memory_space<hbm>>
    %dma_wait3A_97 = arith.constant 0 : i32
    %dma_wait3A_98 = tpu.memref_slice %arg4[%multiple_of3A_89, %dma_wait3A_97] : memref<819200x128xf32, #tpu.memory_space<hbm>> -> memref<128x128xf32, #tpu.memory_space<hbm>>
    %dma_wait3A_99 = arith.constant 0 : i32
    %dma_wait3A_100 = arith.constant 0 : i32
    %dma_wait3A_101 = tpu.memref_slice %arg6[%dma_wait3A_90, %dma_wait3A_99, %dma_wait3A_100] : memref<6x128x128xf32, #tpu.memory_space<vmem>> -> memref<1x128x128xf32, #tpu.memory_space<vmem>>
    %dma_wait3A_102 = tpu.memref_squeeze %dma_wait3A_101 : memref<1x128x128xf32, #tpu.memory_space<vmem>> -> memref<128x128xf32, #tpu.memory_space<vmem>>
    tpu.wait_dma2 semaphore(%arg18 : memref<!tpu.dma_semaphore, #tpu.memory_space<semaphore_mem>>) src(%dma_wait3A_102 : memref<128x128xf32, #tpu.memory_space<vmem>>) dst(%dma_wait3A_98 : memref<128x128xf32, #tpu.memory_space<hbm>>)
    %dma_wait3A_103 = arith.constant 1 : i32
    %dma_wait3A_104 = arith.constant 0 : i32
    %dma_wait3A_105 = arith.constant 0 : i32
    %dma_wait3A_106 = tpu.memref_slice %arg6[%dma_wait3A_103, %dma_wait3A_104, %dma_wait3A_105] : memref<6x128x128xf32, #tpu.memory_space<vmem>> -> memref<1x128x128xf32, #tpu.memory_space<vmem>>
    %dma_wait3A_107 = tpu.memref_squeeze %dma_wait3A_106 : memref<1x128x128xf32, #tpu.memory_space<vmem>> -> memref<128x128xf32, #tpu.memory_space<vmem>>
    %dma_wait3A_108 = arith.constant 25472 : i32
    %dma_wait3A_109 = tpu.memref_slice %arg5[%dma_wait3A_108] : memref<25600xi32, #tpu.memory_space<vmem>> -> memref<128xi32, #tpu.memory_space<vmem>>
    %dma_wait3A_110 = arith.constant 0 : i32
    %dma_wait3A_111 = arith.constant 0 : i32
    %dma_wait3A_112 = tpu.memref_slice %arg3[%dma_wait3A_110, %dma_wait3A_111] : memref<1000000x128xf32, #tpu.memory_space<hbm>> -> memref<1000000x128xf32, #tpu.memory_space<hbm>>
    tpu.wait_indirect_dma semaphore(%arg8 : memref<!tpu.dma_semaphore, #tpu.memory_space<semaphore_mem>>) src(%dma_wait3A_112 : memref<1000000x128xf32, #tpu.memory_space<hbm>>) dst(%dma_wait3A_107 : memref<128x128xf32, #tpu.memory_space<vmem>>)
    %add3A_113 = arith.constant 25472 : i32
    %add3A_114 = arith.addi %mul3A_2, %add3A_113 : i32
    %multiple_of3A_115 = tpu.assume_multiple %add3A_114, 128 : i32
    %dma_start3A_116 = arith.constant 1 : i32
    %dma_start3A_117 = arith.constant 0 : i32
    %dma_start3A_118 = arith.constant 0 : i32
    %dma_start3A_119 = tpu.memref_slice %arg6[%dma_start3A_116, %dma_start3A_117, %dma_start3A_118] : memref<6x128x128xf32, #tpu.memory_space<vmem>> -> memref<1x128x128xf32, #tpu.memory_space<vmem>>
    %dma_start3A_120 = tpu.memref_squeeze %dma_start3A_119 : memref<1x128x128xf32, #tpu.memory_space<vmem>> -> memref<128x128xf32, #tpu.memory_space<vmem>>
    %dma_start3A_121 = arith.constant 0 : i32
    %dma_start3A_122 = tpu.memref_slice %arg4[%multiple_of3A_115, %dma_start3A_121] : memref<819200x128xf32, #tpu.memory_space<hbm>> -> memref<128x128xf32, #tpu.memory_space<hbm>>
    %dma_start3A_123 = arith.constant 0 : i32
    %dma_start3A_124 = tpu.memref_slice %arg4[%multiple_of3A_115, %dma_start3A_123] : memref<819200x128xf32, #tpu.memory_space<hbm>> -> memref<128x128xf32, #tpu.memory_space<hbm>>
    %dma_start3A_125 = arith.constant 0 : i32
    %dma_start3A_126 = arith.constant 0 : i32
    %dma_start3A_127 = tpu.memref_slice %arg6[%dma_start3A_116, %dma_start3A_125, %dma_start3A_126] : memref<6x128x128xf32, #tpu.memory_space<vmem>> -> memref<1x128x128xf32, #tpu.memory_space<vmem>>
    %dma_start3A_128 = tpu.memref_squeeze %dma_start3A_127 : memref<1x128x128xf32, #tpu.memory_space<vmem>> -> memref<128x128xf32, #tpu.memory_space<vmem>>
    tpu.enqueue_dma source(%dma_start3A_128 : memref<128x128xf32, #tpu.memory_space<vmem>>) target(%dma_start3A_124 : memref<128x128xf32, #tpu.memory_space<hbm>>) target_semaphore(%arg14 : memref<!tpu.dma_semaphore, #tpu.memory_space<semaphore_mem>>)
    %add3A_129 = arith.constant 25344 : i32
    %add3A_130 = arith.addi %mul3A_2, %add3A_129 : i32
    %multiple_of3A_131 = tpu.assume_multiple %add3A_130, 128 : i32
    %dma_wait3A_132 = arith.constant 0 : i32
    %dma_wait3A_133 = arith.constant 0 : i32
    %dma_wait3A_134 = arith.constant 0 : i32
    %dma_wait3A_135 = tpu.memref_slice %arg6[%dma_wait3A_132, %dma_wait3A_133, %dma_wait3A_134] : memref<6x128x128xf32, #tpu.memory_space<vmem>> -> memref<1x128x128xf32, #tpu.memory_space<vmem>>
    %dma_wait3A_136 = tpu.memref_squeeze %dma_wait3A_135 : memref<1x128x128xf32, #tpu.memory_space<vmem>> -> memref<128x128xf32, #tpu.memory_space<vmem>>
    %dma_wait3A_137 = arith.constant 0 : i32
    %dma_wait3A_138 = tpu.memref_slice %arg4[%multiple_of3A_131, %dma_wait3A_137] : memref<819200x128xf32, #tpu.memory_space<hbm>> -> memref<128x128xf32, #tpu.memory_space<hbm>>
    %dma_wait3A_139 = arith.constant 0 : i32
    %dma_wait3A_140 = tpu.memref_slice %arg4[%multiple_of3A_131, %dma_wait3A_139] : memref<819200x128xf32, #tpu.memory_space<hbm>> -> memref<128x128xf32, #tpu.memory_space<hbm>>
    %dma_wait3A_141 = arith.constant 0 : i32
    %dma_wait3A_142 = arith.constant 0 : i32
    %dma_wait3A_143 = tpu.memref_slice %arg6[%dma_wait3A_132, %dma_wait3A_141, %dma_wait3A_142] : memref<6x128x128xf32, #tpu.memory_space<vmem>> -> memref<1x128x128xf32, #tpu.memory_space<vmem>>
    %dma_wait3A_144 = tpu.memref_squeeze %dma_wait3A_143 : memref<1x128x128xf32, #tpu.memory_space<vmem>> -> memref<128x128xf32, #tpu.memory_space<vmem>>
    tpu.wait_dma2 semaphore(%arg13 : memref<!tpu.dma_semaphore, #tpu.memory_space<semaphore_mem>>) src(%dma_wait3A_144 : memref<128x128xf32, #tpu.memory_space<vmem>>) dst(%dma_wait3A_140 : memref<128x128xf32, #tpu.memory_space<hbm>>)
    %add3A_145 = arith.constant 25472 : i32
    %add3A_146 = arith.addi %mul3A_2, %add3A_145 : i32
    %multiple_of3A_147 = tpu.assume_multiple %add3A_146, 128 : i32
    %dma_wait3A_148 = arith.constant 1 : i32
    %dma_wait3A_149 = arith.constant 0 : i32
    %dma_wait3A_150 = arith.constant 0 : i32
    %dma_wait3A_151 = tpu.memref_slice %arg6[%dma_wait3A_148, %dma_wait3A_149, %dma_wait3A_150] : memref<6x128x128xf32, #tpu.memory_space<vmem>> -> memref<1x128x128xf32, #tpu.memory_space<vmem>>
    %dma_wait3A_152 = tpu.memref_squeeze %dma_wait3A_151 : memref<1x128x128xf32, #tpu.memory_space<vmem>> -> memref<128x128xf32, #tpu.memory_space<vmem>>
    %dma_wait3A_153 = arith.constant 0 : i32
    %dma_wait3A_154 = tpu.memref_slice %arg4[%multiple_of3A_147, %dma_wait3A_153] : memref<819200x128xf32, #tpu.memory_space<hbm>> -> memref<128x128xf32, #tpu.memory_space<hbm>>
    %dma_wait3A_155 = arith.constant 0 : i32
    %dma_wait3A_156 = tpu.memref_slice %arg4[%multiple_of3A_147, %dma_wait3A_155] : memref<819200x128xf32, #tpu.memory_space<hbm>> -> memref<128x128xf32, #tpu.memory_space<hbm>>
    %dma_wait3A_157 = arith.constant 0 : i32
    %dma_wait3A_158 = arith.constant 0 : i32
    %dma_wait3A_159 = tpu.memref_slice %arg6[%dma_wait3A_148, %dma_wait3A_157, %dma_wait3A_158] : memref<6x128x128xf32, #tpu.memory_space<vmem>> -> memref<1x128x128xf32, #tpu.memory_space<vmem>>
    %dma_wait3A_160 = tpu.memref_squeeze %dma_wait3A_159 : memref<1x128x128xf32, #tpu.memory_space<vmem>> -> memref<128x128xf32, #tpu.memory_space<vmem>>
    tpu.wait_dma2 semaphore(%arg14 : memref<!tpu.dma_semaphore, #tpu.memory_space<semaphore_mem>>) src(%dma_wait3A_160 : memref<128x128xf32, #tpu.memory_space<vmem>>) dst(%dma_wait3A_156 : memref<128x128xf32, #tpu.memory_space<hbm>>)
    return
  }
}

</mosaic_0001>

<sc_bundles>
// kernel: kernel.3.cloned.1.call-start
scs
__scs_entry_jumppad:
0x0: {  	(pc) =	sbr.rel $0x88, $3  }
0x1: {  	(tag) =	ssettag $0x0;
	lr =	simm.s32 $0x1  }
0x2: {  	[smem:$0x3F9E] =	sst lr;
	_ =	strace $0xD0000000  }
0x3: {  	_ = 	snop  }
0x4: {  	_ = 	snop  }
0x5: {  	_ = 	snop  }
0x6: {  	_ = 	snop  }
0x7: {  	_ = 	snop  }
__scs_overlays_trampoline_lowered:
0x8: {  	[smem:$0x3FAD] =	sst s0  }
0x9: {  	[smem:$0x3FAE] =	sst s1  }
0xa: {  	[smem:$0x3FAF] =	sst s2  }
0xb: {  	[smem:$0x3FB0] =	sst s3  }
0xc: {  	[smem:$0x3FB1] =	sst s4  }
0xd: {  	[smem:$0x3FB2] =	sst s5  }
0xe: {  	[smem:$0x3FB3] =	sst s6  }
0xf: {  	[smem:$0x3FB4] =	sst s7  }
0x10: {  	[smem:$0x3FB5] =	sst s8  }
0x11: {  	[smem:$0x3FB6] =	sst s9;
	s0 =	simm.s32 @!p0 $0x0  }
0x12: {  	s1 =	sld [smem:$0x3F9C];
	s0 =	simm.s32 @p0 $0x1  }
0x13: {  	[smem:$0x3FB7] =	sst s0;
	s0 =	simm.s32 @!p1 $0x0  }
0x14: {  	s2 =	sld [smem:$0x3F9B];
	s0 =	simm.s32 @p1 $0x1  }
0x15: {  	[smem:$0x3FB8] =	sst s0;
	s0 =	simm.s32 @!p2 $0x0  }
0x16: {  	s3 =	sld [smem:$0x3FDB];
	s0 =	simm.s32 @p2 $0x1  }
0x17: {  	s4 =	simm.s32 $0x1BF5;
	[smem:$0x3FBA] =	sst s0  }
0x18: {  	s0 =	sld [smem:$0x3F9D];
	_ =	swait.ge [sflag:s4], $0x0  }
0x19: {  	s7 =	sld [smem:$0x3F9E]  }
0x1a: {  	s8 =	sadd.s32 $0xFFFFE003, lr  }
0x1b: {  	s9 =	sadd.s32 $0xFFFFFEF7, lr;
	s5 =	simm.s32 $0xFFFFFFFF;
	p2 =	slt.u32 s8, $0xFFFFF086  }
0x1c: {  	p1 =	slt.u32 s9, $0xF7A;
	s5 =	simm.s32 @!p2 $0x0  }
0x1d: {  	s5 =	simm.s32 @p1 $0x1;
	p0 =	seq.s32 s7, s2  }
0x1e: {  	s7 =	smul.u32 @!p0 $0xF7A, s2;
	p2 =	seq.s32 @!p0 s5, $0x0  }
0x1f: {  	s9 =	smul.u32 $0xF7A, s1;
	s8 =	simm.s32 @!p0 $0x1BF5;
	p2 =	por !p2, p0  }
0x20: {  	[sflag:s8] =	ssyncset.s32 @!p0 $0xFFFFF086;
	s6 =	sadd.s32 @!p0 s3, s7;
	s7 =	simm.s32 @!p0 $0x108  }
0x21: {  	s3 =	sadd.s32 s3, s9;
	s6 =	sadd.s32 @!p0 $0x88, s6;
	s7 =	simm.s32 @p2 $0x1082  }
0x22: {  	[simem:s7], [sflag:s8] =	dma.local @!p0 [hbm:s6], $0xF7A  }
0x23: {  	s9 =	sor.u32 $0xD0000000, s2;
	s6 =	simm.s32 $0x108;
	_ =	swait.ge @!p0 [sflag:s8], $0x0  }
0x24: {  	s3 =	sadd.s32 $0x88, s3;
	s6 =	simm.s32 @!p1 $0x1082;
	[sflag:s4] =	ssyncset.s32 $0xFFFFF086  }
0x25: {  	[simem:s6], [sflag:s4] =	dma.local [hbm:s3], $0xF7A  }
0x26: {  	[smem:$0x3F9E] =	sst s1;
	(tag) =	ssettag s2;
	_ =	strace s9  }
0x27: {  	s1 =	sld [smem:$0x3FAE]  }
0x28: {  	s2 =	sld [smem:$0x3FAF]  }
0x29: {  	s4 =	sld [smem:$0x3FB1]  }
0x2a: {  	p0 =	seq.s32 s5, $0x0;
	s5 =	sld [smem:$0x3FB2]  }
0x2b: {  	s6 =	sld [smem:$0x3FB3]  }
0x2c: {  	s7 =	sld [smem:$0x3FB4]  }
0x2d: {  	s3 =	simm.s32 $0x108;
	s8 =	sld [smem:$0x3FB5]  }
0x2e: {  	s3 =	simm.s32 @!p0 $0x1082;
	s9 =	sld [smem:$0x3FB6]  }
0x2f: {  	lr =	sadd.s32 s0, s3;
	s0 =	sld [smem:$0x3FAD]  }
0x30: {  	s3 =	sld [smem:$0x3FB0]  }
0x31: {  	[smem:$0x3FB9] =	sst s10  }
0x32: {  	s10 =	sld [smem:$0x3FB7];
	_ =	sdelay $0x3  }
0x33: {  	p0 =	seq.s32 s10, $0x1;
	s10 =	sld [smem:$0x3FB9];
	_ =	sdelay $0x3  }
0x34: {  	[smem:$0x3FB9] =	sst s10  }
0x35: {  	s10 =	sld [smem:$0x3FB8];
	_ =	sdelay $0x3  }
0x36: {  	p1 =	seq.s32 s10, $0x1;
	s10 =	sld [smem:$0x3FB9];
	_ =	sdelay $0x3  }
0x37: {  	[smem:$0x3FB9] =	sst s10  }
0x38: {  	s10 =	sld [smem:$0x3FBA]  }
0x39: {  	_ = 	snop;
	(pc) =	sbr.ind lr, $3  }
0x3a: {  	_ = 	snop  }
0x3b: {  	_ = 	snop  }
0x3c: {  	p2 =	seq.s32 s10, $0x1;
	s10 =	sld [smem:$0x3FB9]  }
0x3d: {  	_ =	shalt  }
0x3e: {  	_ =	shalt  }
0x3f: {  	_ =	shalt  }
0x40: {  	_ =	shalt  }
0x41: {  	_ =	shalt  }
0x42: {  	_ =	shalt  }
0x43: {  	_ =	shalt  }
0x44: {  	_ =	shalt  }
0x45: {  	_ =	shalt  }
0x46: {  	_ =	shalt  }
0x47: {  	_ =	shalt  }
0x48: {  	_ =	shalt  }
0x49: {  	_ =	shalt  }
0x4a: {  	_ =	shalt  }
0x4b: {  	_ =	shalt  }
0x4c: {  	_ =	shalt  }
0x4d: {  	_ =	shalt  }
0x4e: {  	_ =	shalt  }
0x4f: {  	_ =	shalt  }
0x50: {  	_ =	shalt  }
0x51: {  	_ =	shalt  }
0x52: {  	_ =	shalt  }
0x53: {  	_ =	shalt  }
0x54: {  	_ =	shalt  }
0x55: {  	_ =	shalt  }
0x56: {  	_ =	shalt  }
0x57: {  	_ =	shalt  }
0x58: {  	_ =	shalt  }
0x59: {  	_ =	shalt  }
0x5a: {  	_ =	shalt  }
0x5b: {  	_ =	shalt  }
0x5c: {  	_ =	shalt  }
0x5d: {  	_ =	shalt  }
0x5e: {  	_ =	shalt  }
0x5f: {  	_ =	shalt  }
0x60: {  	_ =	shalt  }
0x61: {  	_ =	shalt  }
0x62: {  	_ =	shalt  }
0x63: {  	_ =	shalt  }
0x64: {  	_ =	shalt  }
0x65: {  	_ =	shalt  }
0x66: {  	_ =	shalt  }
0x67: {  	_ =	shalt  }
0x68: {  	_ =	shalt  }
0x69: {  	_ =	shalt  }
0x6a: {  	_ =	shalt  }
0x6b: {  	_ =	shalt  }
0x6c: {  	_ =	shalt  }
0x6d: {  	_ =	shalt  }
0x6e: {  	_ =	shalt  }
0x6f: {  	_ =	shalt  }
0x70: {  	_ =	shalt  }
0x71: {  	_ =	shalt  }
0x72: {  	_ =	shalt  }
0x73: {  	_ =	shalt  }
0x74: {  	_ =	shalt  }
0x75: {  	_ =	shalt  }
0x76: {  	_ =	shalt  }
0x77: {  	_ =	shalt  }
0x78: {  	_ =	shalt  }
0x79: {  	_ =	shalt  }
0x7a: {  	_ =	shalt  }
0x7b: {  	_ =	shalt  }
0x7c: {  	_ =	shalt  }
0x7d: {  	_ =	shalt  }
0x7e: {  	_ =	shalt  }
0x7f: {  	_ =	shalt  }
0x80: {  	_ =	shalt  }
0x81: {  	_ =	shalt  }
0x82: {  	_ =	shalt  }
0x83: {  	_ =	shalt  }
0x84: {  	_ =	shalt  }
0x85: {  	_ =	shalt  }
0x86: {  	_ =	shalt  }
0x87: {  	_ =	shalt  }
.Lfunc_end0:
.L_simem_size_0:
called_computation.1_lowered:
.L_overlay_start_0:
0x88: {  	s2 =	sld [smem:$0x3FD9]  }
0x89: {  	s3 =	sld [smem:$0x3FFE];
	_ =	sdelay $0x1  }
0x8a: {  	s1 =	srdreg.scid  }
0x8b: {  	s0 =	sand.u32 $0x1, s1  }
0x8c: {  	s17 =	sshll.u32 s0, $0xA;
	s2 =	sadd.s32 s3, s2  }
0x8d: {  	s2 =	sadd.s32 s2, s17  }
0x8e: {  	[smem:$0x3FC5] =	sst s2  }
0x8f: {  	_ = 	snop  }
0x90: {  	s2 =	sld [smem:$0x3FD0];
	(tm) =	ssettm $0x1  }
0x91: {  	s18 =	sld [smem:$0x3FFB];
	_ =	sdelay $0x3  }
0x92: {  	_ =	strace s18  }
0x93: {  	s3 =	sld [smem:$0x3FFC];
	_ =	sdelay $0x3  }
0x94: {  	_ =	strace s3  }
0x95: {  	s3 =	sld [smem:$0x3FFD];
	_ =	sdelay $0x3  }
0x96: {  	_ =	strace s3  }
0x97: {  	_ =	strace $0x8FFFFFFF  }
0x98: {  	s19 =	sld [smem:$0x3FDB];
	_ =	sdelay $0x1  }
0x99: {  	s4 =	simm.s32 $_scs_section_size  }
0x9a: {  	s5 =	simm.s32 $_size__tile_overlayer_lowered;
	s6 =	simm.s32 $_tile_overlayer_lowered  }
0x9b: {  	s22 =	simm.s32 $0x1BFF;
	s21 =	sshll.u32 s6, $0x1;
	s3 =	sadd.s32 s4, s19  }
0x9c: {  	s7 =	simm.s32 $0x0;
	s20 =	sshll.u32 s5, $0x1;
	s5 =	sadd.s32 s21, s3  }
0x9d: {  	[timem:s7], [sflag:s22] =	dma.local [hbm:s5], s20  }
0x9e: {  	_ =	swait.ge [sflag:s22], s20  }
0x9f: {  	s4 =	ssub.s32 $0x0, s20;
	[sflag:s22] =	ssyncset.done $0x0  }
0xa0: {  	[sflag:s22] =	ssyncadd.s32 s4;
	_ =	sdelay $0x1  }
0xa1: {  	s23 =	simm.s32 $0x1B8B  }
0xa2: {  	_ =	swait.ge [sflag:s23], $0x1  }
0xa3: {  	[sflag:s23] =	ssyncset.done $0x0  }
0xa4: {  	s25 =	simm.s32 $0x1B8E;
	s24 =	sld [smem:$0x3FFE];
	[sflag:s23] =	ssyncadd.s32 $0xFFFFFFFF  }
0xa5: {  	s26 =	simm.s32 $execute0_lowered;
	[smem:$0x3FD2] =	sst s25  }
0xa6: {  	s5 =	sshll.u32 s26, $0x1;
	_ =	strace $0x80000046;
	[dreg:$0x1] =	wrdreg $0xFFFFFFFF  }
0xa7: {  	s28 =	simm.s32 $_size_execute0_lowered;
	s3 =	sadd.s32 s3, s5;
	[dreg:$0x0] =	wrdreg $0x0  }
0xa8: {  	s5 =	sshll.u32 s28, $0x1;
	[dreg:$0x2] =	wrdreg s3  }
0xa9: {  	[dreg:$0x3] =	wrdreg s5  }
0xaa: {  	[dreg:$0x4] =	wrdreg $0xC0  }
0xab: {  	_ =	task [dreg:s7], $0x5FFFF  }
0xac: {  	[dreg:$0x1] =	wrdreg $0xFFFFFFFF  }
0xad: {  	[dreg:$0x0] =	wrdreg $0x60  }
0xae: {  	[dreg:$0x2] =	wrdreg s2  }
0xaf: {  	[dreg:$0x3] =	wrdreg s24  }
0xb0: {  	[dreg:$0x4] =	wrdreg $0x9  }
0xb1: {  	_ =	task.clear_ibuf [dreg:s7], $0x5FFFF;
	_ =	strace $0x90000046  }
0xb2: {  	s29 =	simm.s32 $0x9;
	_ =	strace $0x80000048  }
0xb3: {  	_ =	swait.ge [sflag:s29], $0x1  }
0xb4: {  	[sflag:s29] =	ssyncadd.s32 $0xFFFFFFFF  }
0xb5: {  	_ =	strace $0x90000048  }
0xb6: {  	_ =	sfence  }
0xb7: {  	s30 =	sld [smem:$0x0];
	_ =	sdelay $0x2  }
0xb8: {  	s31 =	sshll.u32 s1, $0xD;
	s1 =	sshrl.u32 s1, $0x2  }
0xb9: {  	s3 =	sand.u32 $0x4000, s31;
	s1 =	sadd.s32 s1, s30  }
0xba: {  	s0 =	sor.u32 s3, s0;
	s1 =	sshll.u32 s1, $0x11  }
0xbb: {  	s0 =	sor.u32 s1, s0  }
0xbc: {  	s0 =	sadd.s32 $0x8F2B, s0  }
0xbd: {  	[sflag:s0] =	ssyncadd.remote.s32 $0x1  }
0xbe: {  	_ =	sfence.sel $0xFFFF  }
0xbf: {  	[dreg:$0x0] =	wrdreg $0xFFFFFFFF;
	(pc) =	sbr.abs _section_cstart, $3  }
0xc0: {  	[dreg:$0x1] =	wrdreg $0xFFFFFFFF  }
0xc1: {  	_ =	task.clear_ibuf [dreg:s7], $0x2FFFF;
	_ =	strace $0x9FFFFFFF  }
0xc2: {  	(tm) =	ssettm $0x7FFFFFFF  }
0xc3: {  	_ =	shalt  }
tec
execute0_lowered:
.L_overlay_start_1:
0x0: {  	(tag) =	ssettag $0x1  }
0x1: {  	s0 =	rddreg [dreg:$0x0];
	s1 =	srdreg.scid  }
0x2: {  	s10 =	stileid.u32;
	s4 =	rddreg [dreg:$0x1];
	s2 =	simm.s32 $0x0  }
0x3: {  	s11 =	simm.s32 $0xA400;
	s28 =	simm.s32 $0x6;
	s9 =	smul.u32 $0xC8000, s10  }
0x4: {  	s29 =	simm.s32 $0xB;
	s1 =	sand.u32 $0x1, s1;
	s13 =	smul.u32 $0x640000, s10  }
0x5: {  	s30 =	simm.s32 $0xC;
	s3 =	sshll.u32 s10, $0x1;
	s14 =	smul.u32 $0x320000, s1  }
0x6: {  	s3 =	sor.u32 s1, s3;
	s6 =	ssub.s32 $0x2, s1;
	s1 =	smul.u32 $0x64000, s1  }
0x7: {  	s31 =	simm.s32 $0x0;
	[smem:$0x7FF] =	sst s2;
	s5 =	smul.u32 $0x6400, s3  }
0x8: {  	s10 =	simm.s32 $0x6400;
	_ =	strace $0x80000047;
	s7 =	smul.u32 $0x320000, s3  }
0x9: {  	s3 =	sadd.s32 $0xF43000, s4;
	s8 =	sshrl.u32 s6, $0x1;
	s4 =	sadd.s32 $0xC00, s4  }
0xa: {  	s8 =	ssub.s32 s6, s8;
	s17 =	sadd.s32 s9, s4;
	s18 =	sadd.s32 s14, s13  }
0xb: {  	s9 =	simm.s32 $0x80;
	s13 =	simm.s32 $0xE400;
	s5 =	sshrl.u32 s5, $0x3  }
0xc: {  	s7 =	sshrl.u32 s7, $0x3;
	s19 =	sadd.s32 s1, s17;
	s20 =	sor.u32 $0x14000, s18  }
0xd: {  	s22 =	sor.u32 $0x10000, s18;
	s23 =	sor.u32 $0xC000, s18;
	s17 =	simm.s32 $0x1  }
0xe: {  	s18 =	simm.s32 $0x1A400;
	s0 =	sadd.s32 s0, s5;
	s15 =	sadd.s32 s4, s7  }
0xf: {  	[dreg:$0x3] =	wrdreg s19;
	s21 =	sshrl.u32 s20, $0x3;
	s1 =	sshrl.u32 s22, $0x3  }
0x10: {  	s25 =	sshrl.u32 s23, $0x3;
	s7 =	smax.u32 s8, $0x1;
	s8 =	simm.s32 $0xD  }
0x11: {  	s19 =	simm.s32 $0x2;
	s20 =	simm.s32 $0x7;
	s22 =	simm.s32 $0x8  }
0x12: {  	s23 =	simm.s32 $0x4;
	[dreg:$0x7] =	wrdreg s0;
	s16 =	sadd.s32 $0x63000, s15  }
0x13: {  	s0 =	sadd.s32 $0x63800, s15;
	s24 =	sadd.s32 s1, s4;
	[dreg:$0x8] =	wrdreg s16  }
0x14: {  	s26 =	sadd.s32 s25, s4;
	s15 =	simm.s32 $0x12400;
	[dreg:$0x9] =	wrdreg s0  }
0x15: {  	s25 =	simm.s32 $0x5;
	s0 =	sadd.s32 s21, s4;
	[dreg:$0x5] =	wrdreg s24  }
0x16: {  	[dreg:$0x6] =	wrdreg s26;
	s16 =	simm.s32 $0x16400;
	s21 =	simm.s32 $0x3  }
0x17: {  	s24 =	simm.s32 $0x9;
	s26 =	simm.s32 $0xA;
	[dreg:$0x4] =	wrdreg s0  }
.LBB2_1:
0x18: {  	s0 =	rddreg [dreg:$0x7]  }
0x19: {  	[tilespmem:s2], [sflag:$0xD] =	stream.linear.gather [hbm4b:s0+s2], $0x6400, $0x38;
	[tilespmem:$0x1E400] =	vst v63  }
0x1a: {  	_ =	swait.ge [sflag:s8], $0x6400  }
0x1b: {  	[sflag:s8] =	ssyncset.done $0x0  }
0x1c: {  	[sflag:s8] =	ssyncadd.s32 $0xFFFF9C00  }
0x1d: {  	[tilespmem:s10], [sflag:$0x1] =	stream.indirect.gather [hbm4b:s3+s9], $0x80, s2, s9, $0xb8;
	[tilespmem:$0x1E400] =	vst v63  }
0x1e: {  	p0 =	por $0x1, $0x1  }
0x1f: {  	[tilespmem:s11], [sflag:$0x2] =	stream.indirect.gather [hbm4b:s3+s9], $0x80, s9, s9, $0xb8;
	[tilespmem:$0x1E400] =	vst v63  }
0x20: {  	s6 =	simm.s32 $0x100;
	p0 =	por p0, p0  }
0x21: {  	[tilespmem:s13], [sflag:$0x3] =	stream.indirect.gather [hbm4b:s3+s9], $0x80, s6, s9, $0xb8;
	[tilespmem:$0x1E400] =	vst v63  }
0x22: {  	s12 =	simm.s32 $0x180;
	s0 =	simm.s32 @!p0 $0xB  }
0x23: {  	[tilespmem:s15], [sflag:$0x4] =	stream.indirect.gather [hbm4b:s3+s9], $0x80, s12, s9, $0xb8;
	[tilespmem:$0x1E400] =	vst v63  }
0x24: {  	_ =	swait.ge @!p0 [sflag:s0], $0x4000  }
0x25: {  	[sflag:s0] =	ssyncset.done @!p0 $0x0  }
0x26: {  	s14 =	simm.s32 $0x200;
	[sflag:s0] =	ssyncadd.s32 @!p0 $0xFFFFC000  }
0x27: {  	[tilespmem:s16], [sflag:$0x5] =	stream.indirect.gather [hbm4b:s3+s9], $0x80, s14, s9, $0xb8;
	[tilespmem:$0x1E400] =	vst v63  }
0x28: {  	_ =	swait.ge [sflag:s17], $0x4000  }
0x29: {  	s1 =	rddreg [dreg:$0x3];
	[sflag:s17] =	ssyncset.done $0x0  }
0x2a: {  	[sflag:s17] =	ssyncadd.s32 $0xFFFFC000;
	s0 =	sadd.s32 $0x0, s1;
	s1 =	simm.s32 @!p0 $0xC  }
0x2b: {  	[hbm4b:s0+s2] =	stream.linear.scatter [tilespmem:s10], [sflag:$0x7], $0x4000, $0x38;
	[tilespmem:$0x1E400] =	vst v63  }
0x2c: {  	_ =	swait.ge @!p0 [sflag:s1], $0x4000  }
0x2d: {  	[sflag:s1] =	ssyncset.done @!p0 $0x0  }
0x2e: {  	s4 =	simm.s32 $0x280;
	[sflag:s1] =	ssyncadd.s32 @!p0 $0xFFFFC000  }
0x2f: {  	[tilespmem:s18], [sflag:$0x6] =	stream.indirect.gather [hbm4b:s3+s9], $0x80, s4, s9, $0xb8;
	[tilespmem:$0x1E400] =	vst v63  }
0x30: {  	_ =	swait.ge [sflag:s19], $0x4000  }
0x31: {  	[sflag:s19] =	ssyncset.done $0x0  }
0x32: {  	s4 =	sadd.s32 $0x800, s0;
	[sflag:s19] =	ssyncadd.s32 $0xFFFFC000  }
0x33: {  	[hbm4b:s4+s2] =	stream.linear.scatter [tilespmem:s11], [sflag:$0x8], $0x4000, $0x38;
	[tilespmem:$0x1E400] =	vst v63  }
0x34: {  	_ =	swait.ge [sflag:s20], $0x4000  }
0x35: {  	[sflag:s20] =	ssyncset.done $0x0  }
0x36: {  	s5 =	simm.s32 $0x300;
	[sflag:s20] =	ssyncadd.s32 $0xFFFFC000  }
0x37: {  	[tilespmem:s10], [sflag:$0x1] =	stream.indirect.gather [hbm4b:s3+s9], $0x80, s5, s9, $0xb8;
	[tilespmem:$0x1E400] =	vst v63  }
0x38: {  	_ =	swait.ge [sflag:s21], $0x4000  }
0x39: {  	[sflag:s21] =	ssyncset.done $0x0  }
0x3a: {  	s0 =	sadd.s32 $0x1000, s0;
	[sflag:s21] =	ssyncadd.s32 $0xFFFFC000  }
0x3b: {  	[hbm4b:s0+s2] =	stream.linear.scatter [tilespmem:s13], [sflag:$0x9], $0x4000, $0x38;
	[tilespmem:$0x1E400] =	vst v63  }
0x3c: {  	_ =	swait.ge [sflag:s22], $0x4000  }
0x3d: {  	[sflag:s22] =	ssyncset.done $0x0  }
0x3e: {  	s6 =	simm.s32 $0x380;
	[sflag:s22] =	ssyncadd.s32 $0xFFFFC000  }
0x3f: {  	[tilespmem:s11], [sflag:$0x2] =	stream.indirect.gather [hbm4b:s3+s9], $0x80, s6, s9, $0xb8;
	[tilespmem:$0x1E400] =	vst v63  }
0x40: {  	_ =	swait.ge [sflag:s23], $0x4000  }
0x41: {  	s12 =	rddreg [dreg:$0x6];
	[sflag:s23] =	ssyncset.done $0x0  }
0x42: {  	[sflag:s23] =	ssyncadd.s32 $0xFFFFC000;
	s0 =	sadd.s32 $0x0, s12  }
0x43: {  	[hbm4b:s0+s2] =	stream.linear.scatter [tilespmem:s15], [sflag:$0xA], $0x4000, $0x38;
	[tilespmem:$0x1E400] =	vst v63  }
0x44: {  	p0 =	por $0x0, $0x0;
	_ =	swait.ge [sflag:s24], $0x4000  }
0x45: {  	s1 =	simm.s32 @!p0 $0xE400;
	[sflag:s24] =	ssyncset.done $0x0  }
0x46: {  	s4 =	simm.s32 @!p0 $0x80;
	s0 =	simm.s32 @!p0 $0x400;
	[sflag:s24] =	ssyncadd.s32 $0xFFFFC000  }
0x47: {  	[tilespmem:s1], [sflag:$0x3] =	stream.indirect.gather @!p0 [hbm4b:s3+s4], $0x80, s0, s4, $0xb8;
	[tilespmem:$0x1E400] =	vst v63  }
0x48: {  	_ =	swait.ge [sflag:s25], $0x4000  }
0x49: {  	s14 =	rddreg [dreg:$0x5];
	[sflag:s25] =	ssyncset.done $0x0  }
0x4a: {  	[sflag:s25] =	ssyncadd.s32 $0xFFFFC000;
	s0 =	sadd.s32 $0x0, s14  }
0x4b: {  	[hbm4b:s0+s2] =	stream.linear.scatter [tilespmem:s16], [sflag:$0xB], $0x4000, $0x38;
	[tilespmem:$0x1E400] =	vst v63  }
0x4c: {  	_ =	swait.ge [sflag:s26], $0x4000  }
0x4d: {  	p6 =	por $0x0, $0x0;
	[sflag:s26] =	ssyncset.done $0x0  }
0x4e: {  	s12 =	simm.s32 @!p0 $0x12400;
	s0 =	simm.s32 @!p0 $0x480;
	[sflag:s26] =	ssyncadd.s32 $0xFFFFC000  }
0x4f: {  	[tilespmem:s12], [sflag:$0x4] =	stream.indirect.gather @!p0 [hbm4b:s3+s4], $0x80, s0, s4, $0xb8;
	[tilespmem:$0x1E400] =	vst v63  }
0x50: {  	s1 =	simm.s32 $0x3000;
	s14 =	simm.s32 $0x0;
	_ =	swait.ge [sflag:s28], $0x4000  }
0x51: {  	s12 =	simm.s32 $0x6000;
	p0 =	por p6, p6;
	[sflag:s28] =	ssyncset.done $0x0  }
0x52: {  	s0 =	simm.s32 $0x580;
	s4 =	rddreg [dreg:$0x4];
	[sflag:s28] =	ssyncadd.s32 $0xFFFFC000  }
.LBB2_2:
0x53: {  	s5 =	simm.s32 @!p0 $0xB;
	s4 =	sadd.s32 s14, s4  }
0x54: {  	[hbm4b:s4+s2] =	stream.linear.scatter [tilespmem:s18], [sflag:$0xC], $0x4000, $0x38;
	[tilespmem:$0x1E400] =	vst v63  }
0x55: {  	_ =	swait.ge @!p0 [sflag:s5], $0x4000  }
0x56: {  	[sflag:s5] =	ssyncset.done @!p0 $0x0  }
0x57: {  	s6 =	sadd.s32 $0xFFFFFF80, s0;
	[sflag:s5] =	ssyncadd.s32 @!p0 $0xFFFFC000  }
0x58: {  	[tilespmem:s16], [sflag:$0x5] =	stream.indirect.gather [hbm4b:s3+s9], $0x80, s6, s9, $0xb8;
	[tilespmem:$0x1E400] =	vst v63  }
0x59: {  	_ =	swait.ge [sflag:s17], $0x4000  }
0x5a: {  	s14 =	smov.u32 s1;
	s5 =	rddreg [dreg:$0x3];
	[sflag:s17] =	ssyncset.done $0x0  }
0x5b: {  	[sflag:s17] =	ssyncadd.s32 $0xFFFFC000;
	s4 =	sadd.s32 s14, s5;
	s5 =	simm.s32 @!p0 $0xC  }
0x5c: {  	[hbm4b:s4+s2] =	stream.linear.scatter [tilespmem:s10], [sflag:$0x7], $0x4000, $0x38;
	[tilespmem:$0x1E400] =	vst v63  }
0x5d: {  	_ =	swait.ge @!p0 [sflag:s5], $0x4000  }
0x5e: {  	[sflag:s5] =	ssyncset.done @!p0 $0x0  }
0x5f: {  	[sflag:s5] =	ssyncadd.s32 @!p0 $0xFFFFC000  }
0x60: {  	[tilespmem:s18], [sflag:$0x6] =	stream.indirect.gather [hbm4b:s3+s9], $0x80, s0, s9, $0xb8;
	[tilespmem:$0x1E400] =	vst v63  }
0x61: {  	_ =	swait.ge [sflag:s19], $0x4000  }
0x62: {  	[sflag:s19] =	ssyncset.done $0x0  }
0x63: {  	s6 =	sadd.s32 $0x800, s4;
	[sflag:s19] =	ssyncadd.s32 $0xFFFFC000  }
0x64: {  	[hbm4b:s6+s2] =	stream.linear.scatter [tilespmem:s11], [sflag:$0x8], $0x4000, $0x38;
	[tilespmem:$0x1E400] =	vst v63  }
0x65: {  	_ =	swait.ge [sflag:s20], $0x4000  }
0x66: {  	[sflag:s20] =	ssyncset.done $0x0  }
0x67: {  	s6 =	sadd.s32 $0x80, s0;
	[sflag:s20] =	ssyncadd.s32 $0xFFFFC000  }
0x68: {  	[tilespmem:s10], [sflag:$0x1] =	stream.indirect.gather [hbm4b:s3+s9], $0x80, s6, s9, $0xb8;
	[tilespmem:$0x1E400] =	vst v63  }
0x69: {  	_ =	swait.ge [sflag:s21], $0x4000  }
0x6a: {  	[sflag:s21] =	ssyncset.done $0x0  }
0x6b: {  	s4 =	sadd.s32 $0x1000, s4;
	[sflag:s21] =	ssyncadd.s32 $0xFFFFC000  }
0x6c: {  	[hbm4b:s4+s2] =	stream.linear.scatter [tilespmem:s13], [sflag:$0x9], $0x4000, $0x38;
	[tilespmem:$0x1E400] =	vst v63  }
0x6d: {  	_ =	swait.ge [sflag:s22], $0x4000  }
0x6e: {  	[sflag:s22] =	ssyncset.done $0x0  }
0x6f: {  	s6 =	sadd.s32 $0x100, s0;
	[sflag:s22] =	ssyncadd.s32 $0xFFFFC000  }
0x70: {  	[tilespmem:s11], [sflag:$0x2] =	stream.indirect.gather [hbm4b:s3+s9], $0x80, s6, s9, $0xb8;
	[tilespmem:$0x1E400] =	vst v63  }
0x71: {  	_ =	swait.ge [sflag:s23], $0x4000  }
0x72: {  	s5 =	rddreg [dreg:$0x6];
	[sflag:s23] =	ssyncset.done $0x0  }
0x73: {  	p2 =	seq.s32 s12, $0x0;
	[sflag:s23] =	ssyncadd.s32 $0xFFFFC000;
	s4 =	sadd.s32 s14, s5  }
0x74: {  	[hbm4b:s4+s2] =	stream.linear.scatter [tilespmem:s15], [sflag:$0xA], $0x4000, $0x38;
	[tilespmem:$0x1E400] =	vst v63  }
0x75: {  	p0 =	por p2, p2;
	p2 =	seq.s32 s14, $0x60000;
	_ =	swait.ge [sflag:s24], $0x4000  }
0x76: {  	s6 =	simm.s32 @!p2 $0xE400;
	[sflag:s24] =	ssyncset.done $0x0  }
0x77: {  	s5 =	simm.s32 @!p2 $0x80;
	s4 =	sadd.s32 @!p2 $0x180, s0;
	[sflag:s24] =	ssyncadd.s32 $0xFFFFC000  }
0x78: {  	[tilespmem:s6], [sflag:$0x3] =	stream.indirect.gather @!p2 [hbm4b:s3+s5], $0x80, s4, s5, $0xb8;
	[tilespmem:$0x1E400] =	vst v63  }
0x79: {  	_ =	swait.ge [sflag:s25], $0x4000  }
0x7a: {  	s6 =	rddreg [dreg:$0x5];
	[sflag:s25] =	ssyncset.done $0x0  }
0x7b: {  	[sflag:s25] =	ssyncadd.s32 $0xFFFFC000;
	s4 =	sadd.s32 s14, s6  }
0x7c: {  	[hbm4b:s4+s2] =	stream.linear.scatter [tilespmem:s16], [sflag:$0xB], $0x4000, $0x38;
	[tilespmem:$0x1E400] =	vst v63  }
0x7d: {  	s1 =	smov.u32 s12;
	s12 =	sadd.s32 $0x3000, s12;
	_ =	swait.ge [sflag:s26], $0x4000  }
0x7e: {  	p1 =	sne.s32 s12, $0x63000;
	s6 =	simm.s32 @!p2 $0x12400;
	[sflag:s26] =	ssyncset.done $0x0  }
.Ltmp0:
0x7f: {  	s4 =	sadd.s32 @!p2 $0x200, s0;
	[sflag:s26] =	ssyncadd.s32 $0xFFFFC000;
	(pc) =	sbr.rel @p1 .LBB2_2-.Ltmp0, $4  }
0x80: {  	[tilespmem:s6], [sflag:$0x4] =	stream.indirect.gather @!p2 [hbm4b:s3+s5], $0x80, s4, s5, $0xb8;
	[tilespmem:$0x1E400] =	vst v63  }
0x81: {  	_ =	swait.ge [sflag:s28], $0x4000  }
0x82: {  	[sflag:s28] =	ssyncset.done $0x0  }
0x83: {  	s0 =	sadd.s32 $0x300, s0;
	s4 =	rddreg [dreg:$0x4];
	[sflag:s28] =	ssyncadd.s32 $0xFFFFC000  }
0x84: {  	s5 =	simm.s32 @!p0 $0xB;
	s4 =	sadd.s32 s14, s4  }
0x85: {  	[hbm4b:s4+s2] =	stream.linear.scatter [tilespmem:s18], [sflag:$0xC], $0x4000, $0x38;
	[tilespmem:$0x1E400] =	vst v63  }
0x86: {  	_ =	swait.ge @!p0 [sflag:s5], $0x4000  }
0x87: {  	[sflag:s5] =	ssyncset.done @!p0 $0x0  }
0x88: {  	[sflag:s5] =	ssyncadd.s32 @!p0 $0xFFFFC000;
	s5 =	sadd.s32 $0xFFFFFF80, s0  }
0x89: {  	[tilespmem:s16], [sflag:$0x5] =	stream.indirect.gather [hbm4b:s3+s9], $0x80, s5, s9, $0xb8;
	[tilespmem:$0x1E400] =	vst v63  }
0x8a: {  	_ =	swait.ge [sflag:s17], $0x4000  }
0x8b: {  	s6 =	rddreg [dreg:$0x3];
	[sflag:s17] =	ssyncset.done $0x0  }
0x8c: {  	s5 =	simm.s32 @!p0 $0xC;
	[sflag:s17] =	ssyncadd.s32 $0xFFFFC000;
	s4 =	sadd.s32 s1, s6  }
0x8d: {  	[hbm4b:s4+s2] =	stream.linear.scatter [tilespmem:s10], [sflag:$0x7], $0x4000, $0x38;
	[tilespmem:$0x1E400] =	vst v63  }
0x8e: {  	_ =	swait.ge @!p0 [sflag:s5], $0x4000  }
0x8f: {  	[sflag:s5] =	ssyncset.done @!p0 $0x0  }
0x90: {  	[sflag:s5] =	ssyncadd.s32 @!p0 $0xFFFFC000  }
0x91: {  	[tilespmem:s18], [sflag:$0x6] =	stream.indirect.gather [hbm4b:s3+s9], $0x80, s0, s9, $0xb8;
	[tilespmem:$0x1E400] =	vst v63  }
0x92: {  	_ =	swait.ge [sflag:s19], $0x4000  }
0x93: {  	[sflag:s19] =	ssyncset.done $0x0  }
0x94: {  	s12 =	sadd.s32 $0x800, s4;
	[sflag:s19] =	ssyncadd.s32 $0xFFFFC000  }
0x95: {  	[hbm4b:s12+s2] =	stream.linear.scatter [tilespmem:s11], [sflag:$0x8], $0x4000, $0x38;
	[tilespmem:$0x1E400] =	vst v63  }
0x96: {  	_ =	swait.ge [sflag:s20], $0x4000  }
0x97: {  	[sflag:s20] =	ssyncset.done $0x0  }
0x98: {  	s14 =	sadd.s32 $0x80, s0;
	[sflag:s20] =	ssyncadd.s32 $0xFFFFC000  }
0x99: {  	[tilespmem:s10], [sflag:$0x1] =	stream.indirect.gather [hbm4b:s3+s9], $0x80, s14, s9, $0xb8;
	[tilespmem:$0x1E400] =	vst v63  }
0x9a: {  	_ =	swait.ge [sflag:s21], $0x4000  }
0x9b: {  	[sflag:s21] =	ssyncset.done $0x0  }
0x9c: {  	s4 =	sadd.s32 $0x1000, s4;
	[sflag:s21] =	ssyncadd.s32 $0xFFFFC000  }
0x9d: {  	[hbm4b:s4+s2] =	stream.linear.scatter [tilespmem:s13], [sflag:$0x9], $0x4000, $0x38;
	[tilespmem:$0x1E400] =	vst v63  }
0x9e: {  	_ =	swait.ge [sflag:s22], $0x4000  }
0x9f: {  	[sflag:s22] =	ssyncset.done $0x0  }
0xa0: {  	s6 =	sadd.s32 $0x100, s0;
	[sflag:s22] =	ssyncadd.s32 $0xFFFFC000  }
0xa1: {  	[tilespmem:s11], [sflag:$0x2] =	stream.indirect.gather [hbm4b:s3+s9], $0x80, s6, s9, $0xb8;
	[tilespmem:$0x1E400] =	vst v63  }
0xa2: {  	_ =	swait.ge [sflag:s23], $0x4000  }
0xa3: {  	s12 =	rddreg [dreg:$0x6];
	[sflag:s23] =	ssyncset.done $0x0  }
0xa4: {  	[sflag:s23] =	ssyncadd.s32 $0xFFFFC000;
	s4 =	sadd.s32 s1, s12  }
0xa5: {  	[hbm4b:s4+s2] =	stream.linear.scatter [tilespmem:s15], [sflag:$0xA], $0x4000, $0x38;
	[tilespmem:$0x1E400] =	vst v63  }
0xa6: {  	p0 =	seq.s32 s1, $0x60000;
	_ =	swait.ge [sflag:s24], $0x4000  }
0xa7: {  	s5 =	simm.s32 @!p0 $0x80;
	[sflag:s24] =	ssyncset.done $0x0  }
0xa8: {  	s6 =	simm.s32 @!p0 $0xE400;
	s4 =	sadd.s32 @!p0 $0x180, s0;
	[sflag:s24] =	ssyncadd.s32 $0xFFFFC000  }
0xa9: {  	[tilespmem:s6], [sflag:$0x3] =	stream.indirect.gather @!p0 [hbm4b:s3+s5], $0x80, s4, s5, $0xb8;
	[tilespmem:$0x1E400] =	vst v63  }
0xaa: {  	_ =	swait.ge [sflag:s25], $0x4000  }
0xab: {  	s14 =	rddreg [dreg:$0x5];
	[sflag:s25] =	ssyncset.done $0x0  }
0xac: {  	[sflag:s25] =	ssyncadd.s32 $0xFFFFC000;
	s4 =	sadd.s32 s1, s14  }
0xad: {  	[hbm4b:s4+s2] =	stream.linear.scatter [tilespmem:s16], [sflag:$0xB], $0x4000, $0x38;
	[tilespmem:$0x1E400] =	vst v63  }
0xae: {  	_ =	swait.ge [sflag:s26], $0x4000  }
0xaf: {  	[sflag:s26] =	ssyncset.done $0x0  }
0xb0: {  	s0 =	sadd.s32 @!p0 $0x200, s0;
	s4 =	simm.s32 @!p0 $0x12400;
	[sflag:s26] =	ssyncadd.s32 $0xFFFFC000  }
0xb1: {  	[tilespmem:s4], [sflag:$0x4] =	stream.indirect.gather @!p0 [hbm4b:s3+s5], $0x80, s0, s5, $0xb8;
	[tilespmem:$0x1E400] =	vst v63  }
0xb2: {  	_ =	swait.ge [sflag:s28], $0x4000  }
0xb3: {  	s6 =	rddreg [dreg:$0x4];
	[sflag:s28] =	ssyncset.done $0x0  }
0xb4: {  	s0 =	sadd.s32 s1, s6;
	[sflag:s28] =	ssyncadd.s32 $0xFFFFC000  }
0xb5: {  	[hbm4b:s0+s2] =	stream.linear.scatter [tilespmem:s18], [sflag:$0xC], $0x4000, $0x38;
	[tilespmem:$0x1E400] =	vst v63  }
0xb6: {  	_ =	swait.ge [sflag:s29], $0x4000  }
0xb7: {  	[sflag:s29] =	ssyncset.done $0x0  }
0xb8: {  	[sflag:s29] =	ssyncadd.s32 $0xFFFFC000  }
0xb9: {  	_ =	swait.ge [sflag:s17], $0x4000  }
0xba: {  	[sflag:s17] =	ssyncset.done $0x0  }
0xbb: {  	s12 =	rddreg [dreg:$0x8];
	[sflag:s17] =	ssyncadd.s32 $0xFFFFC000  }
0xbc: {  	[hbm4b:s12+s2] =	stream.linear.scatter [tilespmem:s10], [sflag:$0x7], $0x4000, $0x38;
	[tilespmem:$0x1E400] =	vst v63  }
0xbd: {  	_ =	swait.ge [sflag:s30], $0x4000  }
0xbe: {  	[sflag:s30] =	ssyncset.done $0x0  }
0xbf: {  	[sflag:s30] =	ssyncadd.s32 $0xFFFFC000  }
0xc0: {  	_ =	swait.ge [sflag:s19], $0x4000  }
0xc1: {  	[sflag:s19] =	ssyncset.done $0x0  }
0xc2: {  	s31 =	sadd.s32 $0x1, s31;
	s14 =	rddreg [dreg:$0x9];
	[sflag:s19] =	ssyncadd.s32 $0xFFFFC000  }
0xc3: {  	[hbm4b:s14+s2] =	stream.linear.scatter [tilespmem:s11], [sflag:$0x8], $0x4000, $0x38;
	[tilespmem:$0x1E400] =	vst v63  }
0xc4: {  	p0 =	sne.s32 s31, s7;
	_ =	swait.ge [sflag:s20], $0x4000  }
.Ltmp1:
0xc5: {  	[sflag:s20] =	ssyncset.done $0x0;
	(pc) =	sbr.rel @p0 .LBB2_1-.Ltmp1, $4  }
0xc6: {  	[sflag:s20] =	ssyncadd.s32 $0xFFFFC000  }
0xc7: {  	_ =	swait.ge [sflag:s22], $0x4000  }
0xc8: {  	[sflag:s22] =	ssyncset.done $0x0  }
0xc9: {  	[sflag:s22] =	ssyncadd.s32 $0xFFFFC000  }
0xca: {  	_ =	sfence.sel $0x180000  }
0xcb: {  	[bflag:$0x0] =	sbarrier.arrive $0xFFFF  }
0xcc: {  	_ =	strace $0x90000047  }
0xcd: {  	s0 =	stileid.u32;
	[bflag:$0x2] =	sbarrier.arrive $0xFFFF  }
0xce: {  	p0 =	sne.s32 s0, $0x0;
	s0 =	rddreg [dreg:$0x2]  }
0xcf: {  	s0 =	sadd.s32 @!p0 $0x100000, s0  }
0xd0: {  	[sflag:s0] =	ssyncadd.tile.s32 @!p0 $0x1;
	_ =	shalt  }
.Lfunc_end2:
_tile_overlayer_lowered:
.L_overlay_start_2:
0xd1: {  	(tag) =	ssettag $0x2  }
0xd2: {  	s0 =	rddreg [dreg:$0x0];
	s2 =	stileid.u32  }
0xd3: {  	s1 =	rddreg [dreg:$0x1];
	p0 =	sne.s32 s2, $0x0  }
0xd4: {  	s3 =	rddreg [dreg:$0x2];
	[bflag:$0x3] =	sbarrier.arrive $0xFFFF;
	s2 =	simm.s32 @!p0 $0x1C0D  }
0xd5: {  	[timem:s3], [sflag:s2] =	dma.local @!p0 [hbm:s0], s1  }
0xd6: {  	s0 =	simm.s32 @!p0 $0xD  }
0xd7: {  	_ =	swait.ge @!p0 [sflag:s0], s1  }
0xd8: {  	s1 =	ssub.s32 @!p0 $0x0, s1;
	[sflag:s0] =	ssyncset.done @!p0 $0x0  }
0xd9: {  	[sflag:s0] =	ssyncadd.s32 @!p0 s1  }
0xda: {  	[bflag:$0x3] =	sbarrier.arrive $0xFFFF  }
0xdb: {  	_ =	shalt  }

// kernel: sparse-core-data-format-call.cloned.1.call-start
scs
called_computation_lowered:
.L_overlay_start_0:
0x0: {  	s2 =	sld [smem:$0x3FD9]  }
0x1: {  	s3 =	sld [smem:$0x3FFE];
	_ =	sdelay $0x1  }
0x2: {  	s1 =	srdreg.scid  }
0x3: {  	s0 =	sand.u32 $0x1, s1  }
0x4: {  	s18 =	sshll.u32 s0, $0xA;
	s2 =	sadd.s32 s3, s2  }
0x5: {  	s2 =	sadd.s32 s2, s18  }
0x6: {  	[smem:$0x3FC5] =	sst s2  }
0x7: {  	_ = 	snop  }
0x8: {  	s2 =	sld [smem:$0x3FD0];
	(tm) =	ssettm $0x1  }
0x9: {  	s19 =	sld [smem:$0x3FFB];
	_ =	sdelay $0x3  }
0xa: {  	_ =	strace s19  }
0xb: {  	s3 =	sld [smem:$0x3FFC];
	_ =	sdelay $0x3  }
0xc: {  	_ =	strace s3  }
0xd: {  	s3 =	sld [smem:$0x3FFD];
	_ =	sdelay $0x3  }
0xe: {  	_ =	strace s3  }
0xf: {  	_ =	strace $0x8FFFFFFF  }
0x10: {  	s20 =	sld [smem:$0x3FDB];
	_ =	sdelay $0x1  }
0x11: {  	s4 =	simm.s32 $_scs_section_size  }
0x12: {  	s5 =	simm.s32 $_size__tile_overlayer_lowered;
	s6 =	simm.s32 $_tile_overlayer_lowered  }
0x13: {  	s23 =	simm.s32 $0x1BFF;
	s22 =	sshll.u32 s6, $0x1;
	s3 =	sadd.s32 s4, s20  }
0x14: {  	s7 =	simm.s32 $0x0;
	s21 =	sshll.u32 s5, $0x1;
	s5 =	sadd.s32 s22, s3  }
0x15: {  	[timem:s7], [sflag:s23] =	dma.local [hbm:s5], s21  }
0x16: {  	_ =	swait.ge [sflag:s23], s21  }
0x17: {  	s4 =	ssub.s32 $0x0, s21;
	[sflag:s23] =	ssyncset.done $0x0  }
0x18: {  	[sflag:s23] =	ssyncadd.s32 s4;
	_ =	sdelay $0x1  }
0x19: {  	s24 =	simm.s32 $0x1B8B  }
0x1a: {  	_ =	swait.ge [sflag:s24], $0x1  }
0x1b: {  	[sflag:s24] =	ssyncset.done $0x0  }
0x1c: {  	s26 =	simm.s32 $0x1B8E;
	s25 =	sld [smem:$0x3FFE];
	[sflag:s24] =	ssyncadd.s32 $0xFFFFFFFF  }
0x1d: {  	s27 =	simm.s32 $execute0_lowered;
	[smem:$0x3FD2] =	sst s26  }
0x1e: {  	s5 =	sshll.u32 s27, $0x1;
	_ =	strace $0x80000049;
	[dreg:$0x1] =	wrdreg $0xFFFFFFFF  }
0x1f: {  	s28 =	simm.s32 $_size_execute0_lowered;
	s3 =	sadd.s32 s3, s5;
	[dreg:$0x0] =	wrdreg $0x0  }
0x20: {  	s5 =	sshll.u32 s28, $0x1;
	[dreg:$0x2] =	wrdreg s3  }
0x21: {  	[dreg:$0x3] =	wrdreg s5  }
0x22: {  	[dreg:$0x4] =	wrdreg $0xC0  }
0x23: {  	_ =	task [dreg:s7], $0x5FFFF  }
0x24: {  	[dreg:$0x1] =	wrdreg $0xFFFFFFFF  }
0x25: {  	[dreg:$0x0] =	wrdreg $0x60  }
0x26: {  	[dreg:$0x2] =	wrdreg s25  }
0x27: {  	[dreg:$0x3] =	wrdreg s2  }
0x28: {  	[dreg:$0x4] =	wrdreg $0x9  }
0x29: {  	_ =	task.clear_ibuf [dreg:s7], $0x5FFFF;
	_ =	strace $0x90000049  }
0x2a: {  	s29 =	simm.s32 $0x9;
	_ =	strace $0x8000004B  }
0x2b: {  	_ =	swait.ge [sflag:s29], $0x1  }
0x2c: {  	[sflag:s29] =	ssyncadd.s32 $0xFFFFFFFF  }
0x2d: {  	_ =	strace $0x9000004B  }
0x2e: {  	_ =	sfence  }
0x2f: {  	s30 =	sld [smem:$0x0];
	_ =	sdelay $0x2  }
0x30: {  	s31 =	sshll.u32 s1, $0xD;
	s1 =	sshrl.u32 s1, $0x2  }
0x31: {  	s3 =	sand.u32 $0x4000, s31;
	s1 =	sadd.s32 s1, s30  }
0x32: {  	s0 =	sor.u32 s3, s0;
	s1 =	sshll.u32 s1, $0x11  }
0x33: {  	s0 =	sor.u32 s1, s0  }
0x34: {  	s0 =	sadd.s32 $0x8F2B, s0  }
0x35: {  	[sflag:s0] =	ssyncadd.remote.s32 $0x1  }
0x36: {  	_ =	sfence.sel $0xFFFF  }
0x37: {  	[dreg:$0x0] =	wrdreg $0xFFFFFFFF;
	(pc) =	sbr.abs _section_cstart, $3  }
0x38: {  	[dreg:$0x1] =	wrdreg $0xFFFFFFFF  }
0x39: {  	_ =	task.clear_ibuf [dreg:s7], $0x2FFFF;
	_ =	strace $0x9FFFFFFF  }
0x3a: {  	(tm) =	ssettm $0x7FFFFFFF  }
0x3b: {  	_ =	shalt  }
tec
execute0_lowered:
.L_overlay_start_1:
0x0: {  	(tag) =	ssettag $0x1  }
0x1: {  	s0 =	srdreg.scid  }
0x2: {  	s1 =	sshll.u32 s0, $0x4  }
0x3: {  	s0 =	stileid.u32;
	s1 =	sand.u32 $0x10, s1  }
0x4: {  	s1 =	sor.u32 s0, s1  }
0x5: {  	s6 =	rddreg [dreg:$0x0];
	s4 =	simm.s32 $0x1;
	s2 =	sshll.u32 s1, $0x7  }
0x6: {  	s7 =	simm.s32 $0x2;
	s12 =	simm.s32 $0x0;
	s1 =	ssub.s32 $0x1000, s2  }
0x7: {  	s8 =	simm.s32 $0x8000;
	s13 =	simm.s32 $0x0;
	s3 =	sand.u32 $0xF80, s1  }
0x8: {  	s9 =	simm.s32 $0x0;
	s5 =	sshrl.u32 s1, $0xC;
	p0 =	sne.s32 s3, $0x0  }
.Ltmp0:
0x9: {  	s1 =	rddreg [dreg:$0x2];
	s4 =	simm.s32 @!p0 $0x0;
	(pc) =	sbr.rel .LBB1_1-.Ltmp0, $4  }
0xa: {  	s11 =	simm.s32 $0x0;
	s3 =	rddreg [dreg:$0x1];
	s5 =	sadd.s32 s4, s5  }
0xb: {  	_ =	strace $0x8000004A;
	s4 =	simm.s32 $0x1;
	s5 =	smul.u32 $0xC8, s5  }
0xc: {  	s6 =	sadd.s32 $0xC00, s6;
	s10 =	smov.u32 s2;
	[sflag:s4] =	ssyncpa.u1 $0x0  }
0xd: {  	p0 =	por $0x0, $0x0;
	[sflag:s7] =	ssyncpa.u1 $0x0;
	s7 =	sor.u32 $0x1, s5  }
.LBB1_4:
0xe: {  	s16 =	sshll.u32 s13, $0x3;
	s17 =	sand.u32 $0x78, s13  }
0xf: {  	s30 =	sand.u32 $0x7E00, s13;
	s12 =	sshll.u32 s12, $0xF;
	s16 =	sand.u32 $0xC00, s16  }
0x10: {  	[tilespmem:s15+$0x810 ss:$0x81] =	vst.msk $0xffff, v2;
	s31 =	sand.u32 $0x7, s13;
	s16 =	sor.u32 s17, s16;
	s17 =	sadd.s32 s3, s30  }
0x11: {  	[tilespmem:s15+$0x1020 ss:$0x81] =	vst.msk $0xffff, v0;
	s13 =	sshll.u32 s31, $0x12;
	s12 =	sadd.s32 s12, s17;
	s16 =	sshrl.u32 s16, $0x3  }
0x12: {  	[tilespmem:s15+$0x0 ss:$0x81] =	vst.msk $0xffff, v1;
	s13 =	sor.u32 $0x400, s13;
	s12 =	sadd.s32 s16, s12  }
0x13: {  	[hbm4b:s12+s13] =	stream.strided.scatter [tilespmem:s14], [sflag:$0x2], $0x2000, s8, s13, $0x20;
	[tilespmem:$0x8080] =	vst v63  }
.LBB1_5:
0x14: {  	s14 =	sadd.s32 $0x1, s9  }
0x15: {  	s12 =	sadd.s32 $0x1000, s10;
	s16 =	smov.u32 s10;
	p2 =	sgt.s32 s14, $0xC7  }
0x16: {  	s16 =	smov.u32 @p2 s12  }
0x17: {  	s14 =	simm.s32 @p2 $0x0;
	p2 =	sgt.s32 s16, $0xFFF  }
0x18: {  	s16 =	smov.u32 @p2 s2;
	p2 =	sne.s32 s11, s7  }
.Ltmp1:
0x19: {  	p1 =	slt.u32 s11, $0x2;
	(pc) =	sbr.rel @!p2 .LBB1_6-.Ltmp1, $4  }
0x1a: {  	s15 =	simm.s32 @!p1 $0x2  }
0x1b: {  	s13 =	smov.u32 s10;
	p0 =	por !p0, !p0;
	_ =	swait.ge @!p1 [sflag:s15], $0x2000  }
0x1c: {  	s12 =	smov.u32 s9;
	[sflag:s15] =	ssyncset.done @!p1 $0x0;
	s9 =	smov.u32 s14  }
0x1d: {  	s11 =	sadd.s32 $0x1, s11;
	[sflag:s15] =	ssyncadd.s32 @!p1 $0xFFFFE000;
	s10 =	smov.u32 s16  }
.LBB1_1:
0x1e: {  	p1 =	sge.u32 s11, s5  }
0x1f: {  	s14 =	sand.u32 @!p1 $0x1FFFFFF, s9  }
0x20: {  	s15 =	smulhi.u32 @!p1 $0x147AE15, s14;
	_ =	sdelay $0x1  }
0x21: {  	s15 =	smul.u32 @!p1 $0xC8, s15  }
0x22: {  	s16 =	sxor.u32 @!p1 $0xFFFFFFFF, s11;
	s17 =	smul.u32 @!p1 $0xC80, s10  }
0x23: {  	s31 =	sadd.s32 $0xFFFFFFFF, s11;
	s16 =	sshll.u32 @!p1 s16, $0xD;
	s14 =	ssub.s32 @!p1 s14, s15  }
0x24: {  	s15 =	sand.u32 @!p1 $0x2000, s16;
	s16 =	sadd.s32 @!p1 s6, s17;
	s14 =	sshll.u32 @!p1 s14, $0x4  }
0x25: {  	s17 =	simm.s32 @!p1 $0x6400;
	s14 =	sadd.s32 @!p1 s14, s16;
	s16 =	simm.s32 @!p1 $0x40  }
0x26: {  	[tilespmem:s15], [sflag:$0x1] =	stream.strided.gather @!p1 [hbm4b:s14+s16], $0x2000, s17, s16, $0x38;
	[tilespmem:$0x8080] =	vst v63  }
0x27: {  	p1 =	sge.u32 s31, s5  }
.Ltmp2:
0x28: {  	_ = 	snop;
	(pc) =	sbr.rel @p1 .LBB1_5-.Ltmp2, $1  }
0x29: {  	_ =	sdelay $0x3  }
0x2a: {  	s14 =	simm.s32 $0x1  }
0x2b: {  	_ =	swait.ge [sflag:s4], $0x2000;
	s14 =	simm.s32 @!p0 $0x0  }
0x2c: {  	[sflag:s4] =	ssyncset.done $0x0;
	s15 =	sshll.u32 s14, $0xD  }
0x2d: {  	[sflag:s4] =	ssyncadd.s32 $0xFFFFE000;
	s18 =	sor.u32 $0x20, s15  }
0x2e: {  	s14 =	smul.u32 $0x8100, s14;
	v3 =	vld [tilespmem:s18+$0x10]  }
0x2f: {  	s30 =	sand.u32 $0x1, s11;
	v2 =	vld [tilespmem:s18+$0xFFFFFFF0]  }
0x30: {  	s15 =	smul.u32 $0x8100, s30;
	s14 =	sshrl.u32 s14, $0x2;
	v0 =	vld [tilespmem:s18+$0x0]  }
0x31: {  	v1 =	vld [tilespmem:s18+$0xFFFFFFE0];
	s16 =	sor.u32 $0x4000, s14  }
0x32: {  	s31 =	sshrl.u32 s15, $0x2;
	s15 =	sadd.s32 $0x0, s16  }
0x33: {  	s17 =	simm.s32 $0x4;
	s18 =	sadd.s32 $0x40, s18;
	s14 =	sor.u32 $0x4000, s31;
	[tilespmem:s15+$0x1830 ss:$0x81] =	vst.msk $0xffff, v3  }
.LBB1_3:
0x34: {  	v3 =	vld [tilespmem:s18+$0x10];
	p1 =	sne.s32 s17, $0x1FC;
	[tilespmem:s15+$0x810 ss:$0x81] =	vst.msk $0xffff, v2;
	s19 =	smov.u32 s17;
	s17 =	sadd.s32 $0x4, s17  }
.Ltmp3:
0x35: {  	v2 =	vld [tilespmem:s18+$0xFFFFFFF0];
	[tilespmem:s15+$0x1020 ss:$0x81] =	vst.msk $0xffff, v0;
	(pc) =	sbr.rel @p1 .LBB1_3-.Ltmp3, $4  }
0x36: {  	v0 =	vld [tilespmem:s18+$0x0];
	[tilespmem:s15+$0x0 ss:$0x81] =	vst.msk $0xffff, v1  }
0x37: {  	s15 =	sshra.s32 s19, $0x2;
	v1 =	vld [tilespmem:s18+$0xFFFFFFE0]  }
0x38: {  	s15 =	sadd.s32 s15, s16  }
0x39: {  	s18 =	sadd.s32 $0x40, s18;
	[tilespmem:s15+$0x1830 ss:$0x81] =	vst.msk $0xffff, v3  }
.Ltmp4:
0x3a: {  	_ = 	snop;
	(pc) =	sbr.rel .LBB1_4-.Ltmp4, $1  }
0x3b: {  	_ =	sdelay $0x3  }
.LBB1_6:
0x3c: {  	_ =	sfence.sel $0x180000  }
0x3d: {  	s2 =	simm.s32 $0x1;
	[bflag:$0x0] =	sbarrier.arrive $0xFFFF  }
0x3e: {  	s31 =	simm.s32 $0x2;
	[sflag:s2] =	ssyncpa.u1 $0x1  }
0x3f: {  	[sflag:s31] =	ssyncpa.u1 $0x1  }
0x40: {  	p0 =	sne.s32 s0, $0x0;
	_ =	strace $0x9000004A  }
0x41: {  	s0 =	sadd.s32 @!p0 $0x100000, s1;
	[bflag:$0x2] =	sbarrier.arrive $0xFFFF  }
0x42: {  	[sflag:s0] =	ssyncadd.tile.s32 @!p0 $0x1;
	_ =	shalt  }
.Lfunc_end1:
_tile_overlayer_lowered:
.L_overlay_start_2:
0x43: {  	(tag) =	ssettag $0x2  }
0x44: {  	s0 =	rddreg [dreg:$0x0];
	s2 =	stileid.u32  }
0x45: {  	s1 =	rddreg [dreg:$0x1];
	p0 =	sne.s32 s2, $0x0  }
0x46: {  	s3 =	rddreg [dreg:$0x2];
	[bflag:$0x3] =	sbarrier.arrive $0xFFFF;
	s2 =	simm.s32 @!p0 $0x1C01  }
0x47: {  	[timem:s3], [sflag:s2] =	dma.local @!p0 [hbm:s0], s1  }
0x48: {  	s0 =	simm.s32 @!p0 $0x1  }
0x49: {  	_ =	swait.ge @!p0 [sflag:s0], s1  }
0x4a: {  	s1 =	ssub.s32 @!p0 $0x0, s1;
	[sflag:s0] =	ssyncset.done @!p0 $0x0  }
0x4b: {  	[sflag:s0] =	ssyncadd.s32 @!p0 s1  }
0x4c: {  	[bflag:$0x3] =	sbarrier.arrive $0xFFFF  }
0x4d: {  	_ =	shalt  }

</sc_bundles>
